<compile_context>
chip_gen: v7x
topology: tpu7x:2x2x1
jax: 0.10.2.dev20260603
libtpu: 0.0.44.dev20260713+nightly
codegen_flags: <defaults>
</compile_context>

<pallas_src>
import functools

import jax
import jax.numpy as jnp
from jax import lax
from jax.experimental import pallas as pl
from jax.experimental.pallas import tpu as pltpu
from jax.experimental.pallas import tpu_sc as plsc

V_TXT = 49152
N_NEW = 258
D = 2048
L = 16
C = 8
NB = 6
LA = 4


@functools.cache
def _build(T):
    mesh = plsc.VectorSubcoreMesh(core_axis_name="c", subcore_axis_name="s")
    NC, NS = mesh.num_cores, mesh.num_subcores
    NW = NC * NS
    TPW = T // NW
    NCH = TPW // C
    assert T % NW == 0 and TPW % C == 0 and TPW % L == 0
    K = (NCH - 2) // NB
    EP = NCH - K * NB
    assert 0 < EP <= NB

    @functools.partial(
        pl.kernel,
        out_type=jax.ShapeDtypeStruct((T, D), jnp.float32),
        mesh=mesh,
        compiler_params=pltpu.CompilerParams(needs_layout_passes=False),
        scratch_types=[
            pltpu.VMEM((TPW + L,), jnp.int32),
            pltpu.VMEM((TPW,), jnp.int32),
            *[pltpu.VMEM((C, D), jnp.float32) for _ in range(NB)],
            *[pltpu.SemaphoreType.DMA for _ in range(2 * NB)],
        ],
    )
    def embed(ids_hbm, base_hbm, ov_hbm, out_hbm, ids_v, idx_v, *rest):
        bufs = rest[:NB]
        gsem = rest[NB:2 * NB]
        ssem = rest[2 * NB:]
        wid = lax.axis_index("s") * NC + lax.axis_index("c")
        base = wid * TPW
        iota16 = lax.iota(jnp.int32, L)

        pltpu.sync_copy(ids_hbm.at[pl.ds(base, TPW)], ids_v.at[pl.ds(0, TPW)])

        def clamp(j, carry):
            t = ids_v[pl.ds(j * L, L)]
            idx_v[pl.ds(j * L, L)] = jnp.minimum(t, V_TXT - 1)
            return carry

        lax.fori_loop(0, TPW // L, clamp, jnp.int32(0))

        def start_gather(c, b):
            pltpu.async_copy(base_hbm.at[idx_v.at[pl.ds(c * C, C)]],
                             bufs[b], gsem[b])

        def wait_gather(b):
            pltpu.make_async_copy(base_hbm.at[pl.ds(0, C)], bufs[b],
                                  gsem[b]).wait()

        def start_write(c, b):
            pltpu.async_copy(bufs[b], out_hbm.at[pl.ds(base + c * C, C)],
                             ssem[b])

        def wait_write(b):
            pltpu.make_async_copy(bufs[b], out_hbm.at[pl.ds(base, C)],
                                  ssem[b]).wait()

        def patch_overlay(c, b):
            v = ids_v[pl.ds(c * C, L)]
            mrem = ((v >= V_TXT) & (iota16 < C)).astype(jnp.int32)

            @pl.when(jnp.sum(mrem) > 0)
            def _():
                def fix_one(mi):
                    packed = jnp.where(mi > 0, (iota16 << 9) | (v - V_TXT),
                                       jnp.int32(2 ** 30))
                    first = jnp.min(packed)
                    lane = first >> 9
                    row = first & (2 ** 9 - 1)
                    pltpu.sync_copy(ov_hbm.at[pl.ds(row, 1)],
                                    bufs[b].at[pl.ds(lane, 1)])
                    return jnp.where(iota16 == lane, 0, mi)

                lax.while_loop(lambda mi: jnp.sum(mi) > 0, fix_one, mrem)

        for b in range(LA):
            start_gather(b, b)

        def step(c, u):
            wait_gather(u)
            patch_overlay(c, u)
            start_write(c, u)
            nb = (u + LA) % NB

            @pl.when(c + LA < NCH)
            def _():
                @pl.when(c >= NB - LA)
                def _():
                    wait_write(nb)
                start_gather(c + LA, nb)

        def pipe(i, carry):
            c0 = i * NB
            for u in range(NB):
                step(c0 + u, u)
            return carry

        lax.fori_loop(0, K, pipe, jnp.int32(0))
        for cc in range(K * NB, NCH):
            u = cc % NB
            wait_gather(u)
            patch_overlay(cc, u)
            start_write(cc, u)
        for b in range(NB):
            wait_write(b)

    return embed


def kernel(input_ids, base_weight, overlay_weight):
    B, S = input_ids.shape
    ids = input_ids.reshape(B * S).astype(jnp.int32)
    out = _build(B * S)(ids, base_weight, overlay_weight)
    return out.reshape(B, S, D)

# --- scband reference (transcript-rebuilt; emitter-appended) ---
"""Pipeline reference for scband-overlay-embedding-21337397527267 (READ-ONLY COPY).

The authoritative reference and input builder live on the scoring server;
editing this copy changes nothing except your own understanding.
"""

import jax, jax.numpy as jnp
import numpy as np

V_TXT = 49152
N_NEW = 258
D = 2048
B = 4
S = 8192


def setup_inputs(seed: int = 0) -> dict:
    key = jax.random.key(seed)
    k1, k2, k3 = jax.random.split(key, 3)
    input_ids = jax.random.randint(k1, (B, S), 0, V_TXT + N_NEW)
    base_weight = jax.random.normal(k2, (V_TXT, D), dtype=jnp.float32) * 0.02
    overlay_weight = jax.random.normal(k3, (N_NEW, D), dtype=jnp.float32) * 0.02
    return {"input_ids": input_ids, "base_weight": base_weight, "overlay_weight": overlay_weight}


def reference(input_ids, base_weight, overlay_weight):
    # base_ids = input_ids.clamp(max=v_txt - 1)
    base_ids = jnp.minimum(input_ids, V_TXT - 1)
    out = jnp.take(base_weight, base_ids, axis=0)
    # mask = input_ids >= v_txt; out[mask] = overlay(input_ids[mask] - v_txt)
    mask = input_ids >= V_TXT
    ov_ids = jnp.clip(input_ids - V_TXT, 0, N_NEW - 1)
    ov = jnp.take(overlay_weight, ov_ids, axis=0)
    out = jnp.where(mask[..., None], ov, out)
    return out

if __name__ == "__main__":
    import jax
    _d = setup_inputs()
    print(jax.jit(kernel)(*tuple(_d.values())))

</pallas_src>

<mosaic_0001>
#map = affine_map<(d0, d1) -> (0)>
#map1 = affine_map<(d0, d1) -> (0, 0)>
module attributes {stable_mosaic.version = 14 : i64} {
  func.func @embed(%arg0: i32, %arg1: i32, %arg2: memref<32768xi32, #tpu.memory_space<hbm>>, %arg3: memref<49152x2048xf32, #tpu.memory_space<hbm>>, %arg4: memref<258x2048xf32, #tpu.memory_space<hbm>>, %arg5: memref<32768x2048xf32, #tpu.memory_space<hbm>>, %arg6: memref<1040xi32, #tpu.memory_space<vmem>>, %arg7: memref<1024xi32, #tpu.memory_space<vmem>>, %arg8: memref<8x2048xf32, #tpu.memory_space<vmem>>, %arg9: memref<8x2048xf32, #tpu.memory_space<vmem>>, %arg10: memref<8x2048xf32, #tpu.memory_space<vmem>>, %arg11: memref<8x2048xf32, #tpu.memory_space<vmem>>, %arg12: memref<8x2048xf32, #tpu.memory_space<vmem>>, %arg13: memref<8x2048xf32, #tpu.memory_space<vmem>>, %arg14: memref<!tpu.dma_semaphore, #tpu.memory_space<semaphore_mem>>, %arg15: memref<!tpu.dma_semaphore, #tpu.memory_space<semaphore_mem>>, %arg16: memref<!tpu.dma_semaphore, #tpu.memory_space<semaphore_mem>>, %arg17: memref<!tpu.dma_semaphore, #tpu.memory_space<semaphore_mem>>, %arg18: memref<!tpu.dma_semaphore, #tpu.memory_space<semaphore_mem>>, %arg19: memref<!tpu.dma_semaphore, #tpu.memory_space<semaphore_mem>>, %arg20: memref<!tpu.dma_semaphore, #tpu.memory_space<semaphore_mem>>, %arg21: memref<!tpu.dma_semaphore, #tpu.memory_space<semaphore_mem>>, %arg22: memref<!tpu.dma_semaphore, #tpu.memory_space<semaphore_mem>>, %arg23: memref<!tpu.dma_semaphore, #tpu.memory_space<semaphore_mem>>, %arg24: memref<!tpu.dma_semaphore, #tpu.memory_space<semaphore_mem>>, %arg25: memref<!tpu.dma_semaphore, #tpu.memory_space<semaphore_mem>>) attributes {dimension_semantics = [#tpu.dimension_semantics<core_parallel>, #tpu.dimension_semantics<subcore_parallel>], iteration_bounds = array<i64: 2, 16>, scalar_prefetch = 0 : i64, scratch_operands = 20 : i64, tpu.core_type = #tpu.core_type<sc_vector_subcore>, window_params = [{transform_indices = #map}, {transform_indices = #map1}, {transform_indices = #map1}, {transform_indices = #map1}]} {
    %mul3A = arith.constant 2 : i32
    %mul3A_0 = arith.muli %arg1, %mul3A : i32
    %add3A = arith.addi %mul3A_0, %arg0 : i32
    %mul3A_1 = arith.constant 1024 : i32
    %mul3A_2 = arith.muli %add3A, %mul3A_1 : i32
    %iota3A = tpu.iota {dimensions = array<i32: 0>} : vector<16xi32>
    "tpu.region"() ({
      %run_scoped3A = tpu.sem_alloc : memref<!tpu.dma_semaphore, #tpu.memory_space<semaphore_mem>>
      %dma_start3A_110 = arith.constant 0 : i32
      %dma_start3A_111 = tpu.memref_slice %arg6[%dma_start3A_110] : memref<1040xi32, #tpu.memory_space<vmem>> -> memref<1024xi32, #tpu.memory_space<vmem>>
      %dma_start3A_112 = tpu.memref_slice %arg2[%mul3A_2] : memref<32768xi32, #tpu.memory_space<hbm>> -> memref<1024xi32, #tpu.memory_space<hbm>>
      %dma_start3A_113 = arith.constant 0 : i32
      %dma_start3A_114 = tpu.memref_slice %arg6[%dma_start3A_113] : memref<1040xi32, #tpu.memory_space<vmem>> -> memref<1024xi32, #tpu.memory_space<vmem>>
      %dma_start3A_115 = tpu.memref_slice %arg2[%mul3A_2] : memref<32768xi32, #tpu.memory_space<hbm>> -> memref<1024xi32, #tpu.memory_space<hbm>>
      tpu.enqueue_dma source(%dma_start3A_115 : memref<1024xi32, #tpu.memory_space<hbm>>) target(%dma_start3A_114 : memref<1024xi32, #tpu.memory_space<vmem>>) target_semaphore(%run_scoped3A : memref<!tpu.dma_semaphore, #tpu.memory_space<semaphore_mem>>)
      %dma_wait3A_116 = arith.constant 0 : i32
      %dma_wait3A_117 = tpu.memref_slice %arg6[%dma_wait3A_116] : memref<1040xi32, #tpu.memory_space<vmem>> -> memref<1024xi32, #tpu.memory_space<vmem>>
      %dma_wait3A_118 = tpu.memref_slice %arg2[%mul3A_2] : memref<32768xi32, #tpu.memory_space<hbm>> -> memref<1024xi32, #tpu.memory_space<hbm>>
      %dma_wait3A_119 = arith.constant 0 : i32
      %dma_wait3A_120 = tpu.memref_slice %arg6[%dma_wait3A_119] : memref<1040xi32, #tpu.memory_space<vmem>> -> memref<1024xi32, #tpu.memory_space<vmem>>
      %dma_wait3A_121 = tpu.memref_slice %arg2[%mul3A_2] : memref<32768xi32, #tpu.memory_space<hbm>> -> memref<1024xi32, #tpu.memory_space<hbm>>
      tpu.wait_dma2 semaphore(%run_scoped3A : memref<!tpu.dma_semaphore, #tpu.memory_space<semaphore_mem>>) src(%dma_wait3A_121 : memref<1024xi32, #tpu.memory_space<hbm>>) dst(%dma_wait3A_120 : memref<1024xi32, #tpu.memory_space<vmem>>)
      tpu.yield
    }) : () -> ()
    %scan3A = arith.constant 0 : i32
    %scan3A_3 = arith.constant 0 : i32
    %scan3A_4 = arith.constant 64 : i32
    %scan3A_5 = arith.addi %scan3A_3, %scan3A_4 : i32
    %scan3A_6 = arith.constant 1 : i32
    scf.for %scan3A_110 = %scan3A_3 to %scan3A_5 step %scan3A_6  : i32 {
      %mul3A_111 = arith.constant 16 : i32
      %mul3A_112 = arith.muli %scan3A_110, %mul3A_111 : i32
      %get3A_113 = arith.index_cast %mul3A_112 : i32 to index
      %get3A_114 = tpu.vector_load %arg6[%get3A_113] {strides = array<i32>} : memref<1040xi32, #tpu.memory_space<vmem>>, vector<16xi32>,
      %min3A = arith.constant 49151 : i32
      %min3A_115 = vector.broadcast %min3A : i32 to vector<16xi32>
      %min3A_116 = arith.minsi %get3A_114, %min3A_115 : vector<16xi32>
      %mul3A_117 = arith.constant 16 : i32
      %mul3A_118 = arith.muli %scan3A_110, %mul3A_117 : i32
      %swap3A = arith.index_cast %mul3A_118 : i32 to index
      %swap3A_119 = tpu.vector_load %arg7[%swap3A] {strides = array<i32>} : memref<1024xi32, #tpu.memory_space<vmem>>, vector<16xi32>,
      tpu.vector_store %arg7[%swap3A], %min3A_116 {strides = array<i32>} : memref<1024xi32, #tpu.memory_space<vmem>>, vector<16xi32>,
    }
    %scan3A_7 = arith.constant 64 : i32
    %dma_start3A = arith.constant 0 : i32
    %dma_start3A_8 = tpu.memref_slice %arg7[%dma_start3A] : memref<1024xi32, #tpu.memory_space<vmem>> -> memref<8xi32, #tpu.memory_space<vmem>>
    %dma_start3A_9 = arith.constant 0 : i32
    %dma_start3A_10 = arith.constant 0 : i32
    %dma_start3A_11 = tpu.memref_slice %arg3[%dma_start3A_9, %dma_start3A_10] : memref<49152x2048xf32, #tpu.memory_space<hbm>> -> memref<49152x2048xf32, #tpu.memory_space<hbm>>
    tpu.enqueue_indirect_dma source(%dma_start3A_11 : memref<49152x2048xf32, #tpu.memory_space<hbm>>) target(%arg8 : memref<8x2048xf32, #tpu.memory_space<vmem>>) offsets(%dma_start3A_8 : memref<8xi32, #tpu.memory_space<vmem>>) semaphore(%arg14 : memref<!tpu.dma_semaphore, #tpu.memory_space<semaphore_mem>>)
    %dma_start3A_12 = arith.constant 8 : i32
    %dma_start3A_13 = tpu.memref_slice %arg7[%dma_start3A_12] : memref<1024xi32, #tpu.memory_space<vmem>> -> memref<8xi32, #tpu.memory_space<vmem>>
    %dma_start3A_14 = arith.constant 0 : i32
    %dma_start3A_15 = arith.constant 0 : i32
    %dma_start3A_16 = tpu.memref_slice %arg3[%dma_start3A_14, %dma_start3A_15] : memref<49152x2048xf32, #tpu.memory_space<hbm>> -> memref<49152x2048xf32, #tpu.memory_space<hbm>>
    tpu.enqueue_indirect_dma source(%dma_start3A_16 : memref<49152x2048xf32, #tpu.memory_space<hbm>>) target(%arg9 : memref<8x2048xf32, #tpu.memory_space<vmem>>) offsets(%dma_start3A_13 : memref<8xi32, #tpu.memory_space<vmem>>) semaphore(%arg15 : memref<!tpu.dma_semaphore, #tpu.memory_space<semaphore_mem>>)
    %dma_start3A_17 = arith.constant 16 : i32
    %dma_start3A_18 = tpu.memref_slice %arg7[%dma_start3A_17] : memref<1024xi32, #tpu.memory_space<vmem>> -> memref<8xi32, #tpu.memory_space<vmem>>
    %dma_start3A_19 = arith.constant 0 : i32
    %dma_start3A_20 = arith.constant 0 : i32
    %dma_start3A_21 = tpu.memref_slice %arg3[%dma_start3A_19, %dma_start3A_20] : memref<49152x2048xf32, #tpu.memory_space<hbm>> -> memref<49152x2048xf32, #tpu.memory_space<hbm>>
    tpu.enqueue_indirect_dma source(%dma_start3A_21 : memref<49152x2048xf32, #tpu.memory_space<hbm>>) target(%arg10 : memref<8x2048xf32, #tpu.memory_space<vmem>>) offsets(%dma_start3A_18 : memref<8xi32, #tpu.memory_space<vmem>>) semaphore(%arg16 : memref<!tpu.dma_semaphore, #tpu.memory_space<semaphore_mem>>)
    %dma_start3A_22 = arith.constant 24 : i32
    %dma_start3A_23 = tpu.memref_slice %arg7[%dma_start3A_22] : memref<1024xi32, #tpu.memory_space<vmem>> -> memref<8xi32, #tpu.memory_space<vmem>>
    %dma_start3A_24 = arith.constant 0 : i32
    %dma_start3A_25 = arith.constant 0 : i32
    %dma_start3A_26 = tpu.memref_slice %arg3[%dma_start3A_24, %dma_start3A_25] : memref<49152x2048xf32, #tpu.memory_space<hbm>> -> memref<49152x2048xf32, #tpu.memory_space<hbm>>
    tpu.enqueue_indirect_dma source(%dma_start3A_26 : memref<49152x2048xf32, #tpu.memory_space<hbm>>) target(%arg11 : memref<8x2048xf32, #tpu.memory_space<vmem>>) offsets(%dma_start3A_23 : memref<8xi32, #tpu.memory_space<vmem>>) semaphore(%arg17 : memref<!tpu.dma_semaphore, #tpu.memory_space<semaphore_mem>>)
    %scan3A_27 = arith.constant 0 : i32
    %scan3A_28 = arith.constant 0 : i32
    %scan3A_29 = arith.constant 21 : i32
    %scan3A_30 = arith.addi %scan3A_28, %scan3A_29 : i32
    %scan3A_31 = arith.constant 1 : i32
    scf.for %scan3A_110 = %scan3A_28 to %scan3A_30 step %scan3A_31  : i32 {
      %mul3A_111 = arith.constant 6 : i32
      %mul3A_112 = arith.muli %scan3A_110, %mul3A_111 : i32
      %add3A_113 = arith.constant 0 : i32
      %add3A_114 = arith.addi %mul3A_112, %add3A_113 : i32
      %dma_wait3A_115 = arith.constant 0 : i32
      %dma_wait3A_116 = arith.constant 0 : i32
      %dma_wait3A_117 = tpu.memref_slice %arg3[%dma_wait3A_115, %dma_wait3A_116] : memref<49152x2048xf32, #tpu.memory_space<hbm>> -> memref<8x2048xf32, #tpu.memory_space<hbm>>
      %dma_wait3A_118 = arith.constant 0 : i32
      %dma_wait3A_119 = arith.constant 0 : i32
      %dma_wait3A_120 = tpu.memref_slice %arg3[%dma_wait3A_118, %dma_wait3A_119] : memref<49152x2048xf32, #tpu.memory_space<hbm>> -> memref<8x2048xf32, #tpu.memory_space<hbm>>
      tpu.wait_dma2 semaphore(%arg14 : memref<!tpu.dma_semaphore, #tpu.memory_space<semaphore_mem>>) src(%dma_wait3A_120 : memref<8x2048xf32, #tpu.memory_space<hbm>>) dst(%arg8 : memref<8x2048xf32, #tpu.memory_space<vmem>>)
      %mul3A_121 = arith.constant 8 : i32
      %mul3A_122 = arith.muli %add3A_114, %mul3A_121 : i32
      %get3A_123 = arith.index_cast %mul3A_122 : i32 to index
      %get3A_124 = tpu.vector_load %arg6[%get3A_123] {strides = array<i32>} : memref<1040xi32, #tpu.memory_space<vmem>>, vector<16xi32>,
      %ge3A_125 = arith.constant 49152 : i32
      %ge3A_126 = vector.broadcast %ge3A_125 : i32 to vector<16xi32>
      %ge3A_127 = arith.cmpi sge, %get3A_124, %ge3A_126 : vector<16xi32>
      %lt3A_128 = arith.constant 8 : i32
      %lt3A_129 = vector.broadcast %lt3A_128 : i32 to vector<16xi32>
      %lt3A_130 = arith.cmpi slt, %iota3A, %lt3A_129 : vector<16xi32>
      %and3A_131 = arith.andi %ge3A_127, %lt3A_130 : vector<16xi1>
      %convert_element_type3A_132 = arith.extui %and3A_131 : vector<16xi1> to vector<16xi32>
      %reduce_sum3A_133 = arith.constant true
      %reduce_sum3A_134 = vector.broadcast %reduce_sum3A_133 : i1 to vector<16xi1>
      %reduce_sum3A_135 = tpu.scan <sum>, %convert_element_type3A_132 masked %reduce_sum3A_134 : vector<16xi32>, vector<16xi1> -> vector<16xi32>
      %reduce_sum3A_136 = vector.extract %reduce_sum3A_135[15] : i32 from vector<16xi32>
      %gt3A_137 = arith.constant 0 : i32
      %gt3A_138 = arith.cmpi sgt, %reduce_sum3A_136, %gt3A_137 : i32
      %convert_element_type3A_139 = arith.extui %gt3A_138 : i1 to i32
      %cond3A_140 = arith.constant 0 : i32
      %cond3A_141 = arith.cmpi ne, %convert_element_type3A_139, %cond3A_140 : i32
      scf.if %cond3A_141 {
        %while3A = scf.while (%while3A_371 = %convert_element_type3A_132) : (vector<16xi32>) -> vector<16xi32> {
          %reduce_sum3A_372 = arith.constant true
          %reduce_sum3A_373 = vector.broadcast %reduce_sum3A_372 : i1 to vector<16xi1>
          %reduce_sum3A_374 = tpu.scan <sum>, %while3A_371 masked %reduce_sum3A_373 : vector<16xi32>, vector<16xi1> -> vector<16xi32>
          %reduce_sum3A_375 = vector.extract %reduce_sum3A_374[15] : i32 from vector<16xi32>
          %gt3A_376 = arith.constant 0 : i32
          %gt3A_377 = arith.cmpi sgt, %reduce_sum3A_375, %gt3A_376 : i32
          scf.condition(%gt3A_377) %while3A_371 : vector<16xi32>
        } do {
        ^bb0(%while3A_371: vector<16xi32>):
          %gt3A_372 = arith.constant 0 : i32
          %gt3A_373 = vector.broadcast %gt3A_372 : i32 to vector<16xi32>
          %gt3A_374 = arith.cmpi sgt, %while3A_371, %gt3A_373 : vector<16xi32>
          %shift_left3A = arith.constant 9 : i32
          %shift_left3A_375 = vector.broadcast %shift_left3A : i32 to vector<16xi32>
          %shift_left3A_376 = arith.shli %iota3A, %shift_left3A_375 : vector<16xi32>
          %sub3A = arith.constant 49152 : i32
          %sub3A_377 = vector.broadcast %sub3A : i32 to vector<16xi32>
          %sub3A_378 = arith.subi %get3A_124, %sub3A_377 : vector<16xi32>
          %or3A = arith.ori %shift_left3A_376, %sub3A_378 : vector<16xi32>
          %jit3A = arith.constant 1073741824 : i32
          %broadcast_in_dim3A = vector.broadcast %jit3A : i32 to vector<16xi32>
          %select_n3A = arith.select %gt3A_374, %or3A, %broadcast_in_dim3A : vector<16xi1>, vector<16xi32>
          %reduce_min3A = arith.constant true
          %reduce_min3A_379 = vector.broadcast %reduce_min3A : i1 to vector<16xi1>
          %reduce_min3A_380 = arith.constant -2147483648 : i32
          %reduce_min3A_381 = vector.broadcast %reduce_min3A_380 : i32 to vector<16xi32>
          %reduce_min3A_382 = arith.xori %select_n3A, %reduce_min3A_381 : vector<16xi32>
          %reduce_min3A_383 = tpu.scan <min>, %reduce_min3A_382 masked %reduce_min3A_379 : vector<16xi32>, vector<16xi1> -> vector<16xi32>
          %reduce_min3A_384 = arith.xori %reduce_min3A_383, %reduce_min3A_381 : vector<16xi32>
          %reduce_min3A_385 = vector.extract %reduce_min3A_384[15] : i32 from vector<16xi32>
          %shift_right_arithmetic3A = arith.constant 9 : i32
          %shift_right_arithmetic3A_386 = arith.shrsi %reduce_min3A_385, %shift_right_arithmetic3A : i32
          %and3A_387 = arith.constant 511 : i32
          %and3A_388 = arith.andi %reduce_min3A_385, %and3A_387 : i32
          "tpu.region"() ({
            %run_scoped3A = tpu.sem_alloc : memref<!tpu.dma_semaphore, #tpu.memory_space<semaphore_mem>>
            %dma_start3A_393 = arith.constant 0 : i32
            %dma_start3A_394 = tpu.memref_slice %arg8[%shift_right_arithmetic3A_386, %dma_start3A_393] : memref<8x2048xf32, #tpu.memory_space<vmem>> -> memref<1x2048xf32, #tpu.memory_space<vmem>>
            %dma_start3A_395 = arith.constant 0 : i32
            %dma_start3A_396 = tpu.memref_slice %arg4[%and3A_388, %dma_start3A_395] : memref<258x2048xf32, #tpu.memory_space<hbm>> -> memref<1x2048xf32, #tpu.memory_space<hbm>>
            %dma_start3A_397 = arith.constant 0 : i32
            %dma_start3A_398 = tpu.memref_slice %arg8[%shift_right_arithmetic3A_386, %dma_start3A_397] : memref<8x2048xf32, #tpu.memory_space<vmem>> -> memref<1x2048xf32, #tpu.memory_space<vmem>>
            %dma_start3A_399 = arith.constant 0 : i32
            %dma_start3A_400 = tpu.memref_slice %arg4[%and3A_388, %dma_start3A_399] : memref<258x2048xf32, #tpu.memory_space<hbm>> -> memref<1x2048xf32, #tpu.memory_space<hbm>>
            tpu.enqueue_dma source(%dma_start3A_400 : memref<1x2048xf32, #tpu.memory_space<hbm>>) target(%dma_start3A_398 : memref<1x2048xf32, #tpu.memory_space<vmem>>) target_semaphore(%run_scoped3A : memref<!tpu.dma_semaphore, #tpu.memory_space<semaphore_mem>>)
            %dma_wait3A_401 = arith.constant 0 : i32
            %dma_wait3A_402 = tpu.memref_slice %arg8[%shift_right_arithmetic3A_386, %dma_wait3A_401] : memref<8x2048xf32, #tpu.memory_space<vmem>> -> memref<1x2048xf32, #tpu.memory_space<vmem>>
            %dma_wait3A_403 = arith.constant 0 : i32
            %dma_wait3A_404 = tpu.memref_slice %arg4[%and3A_388, %dma_wait3A_403] : memref<258x2048xf32, #tpu.memory_space<hbm>> -> memref<1x2048xf32, #tpu.memory_space<hbm>>
            %dma_wait3A_405 = arith.constant 0 : i32
            %dma_wait3A_406 = tpu.memref_slice %arg8[%shift_right_arithmetic3A_386, %dma_wait3A_405] : memref<8x2048xf32, #tpu.memory_space<vmem>> -> memref<1x2048xf32, #tpu.memory_space<vmem>>
            %dma_wait3A_407 = arith.constant 0 : i32
            %dma_wait3A_408 = tpu.memref_slice %arg4[%and3A_388, %dma_wait3A_407] : memref<258x2048xf32, #tpu.memory_space<hbm>> -> memref<1x2048xf32, #tpu.memory_space<hbm>>
            tpu.wait_dma2 semaphore(%run_scoped3A : memref<!tpu.dma_semaphore, #tpu.memory_space<semaphore_mem>>) src(%dma_wait3A_408 : memref<1x2048xf32, #tpu.memory_space<hbm>>) dst(%dma_wait3A_406 : memref<1x2048xf32, #tpu.memory_space<vmem>>)
            tpu.yield
          }) : () -> ()
          %eq3A = vector.broadcast %shift_right_arithmetic3A_386 : i32 to vector<16xi32>
          %eq3A_389 = arith.cmpi eq, %iota3A, %eq3A : vector<16xi32>
          %jit3A_390 = arith.constant 0 : i32
          %broadcast_in_dim3A_391 = vector.broadcast %jit3A_390 : i32 to vector<16xi32>
          %select_n3A_392 = arith.select %eq3A_389, %broadcast_in_dim3A_391, %while3A_371 : vector<16xi1>, vector<16xi32>
          scf.yield %select_n3A_392 : vector<16xi32>
        }
      } else {
      }
      %mul3A_142 = arith.constant 8 : i32
      %mul3A_143 = arith.muli %add3A_114, %mul3A_142 : i32
      %add3A_144 = arith.addi %mul3A_2, %mul3A_143 : i32
      %dma_start3A_145 = arith.constant 0 : i32
      %dma_start3A_146 = tpu.memref_slice %arg5[%add3A_144, %dma_start3A_145] : memref<32768x2048xf32, #tpu.memory_space<hbm>> -> memref<8x2048xf32, #tpu.memory_space<hbm>>
      %dma_start3A_147 = arith.constant 0 : i32
      %dma_start3A_148 = tpu.memref_slice %arg5[%add3A_144, %dma_start3A_147] : memref<32768x2048xf32, #tpu.memory_space<hbm>> -> memref<8x2048xf32, #tpu.memory_space<hbm>>
      tpu.enqueue_dma source(%arg8 : memref<8x2048xf32, #tpu.memory_space<vmem>>) target(%dma_start3A_148 : memref<8x2048xf32, #tpu.memory_space<hbm>>) target_semaphore(%arg20 : memref<!tpu.dma_semaphore, #tpu.memory_space<semaphore_mem>>)
      %add3A_149 = arith.constant 4 : i32
      %add3A_150 = arith.addi %add3A_114, %add3A_149 : i32
      %lt3A_151 = arith.constant 128 : i32
      %lt3A_152 = arith.cmpi slt, %add3A_150, %lt3A_151 : i32
      %convert_element_type3A_153 = arith.extui %lt3A_152 : i1 to i32
      %cond3A_154 = arith.constant 0 : i32
      %cond3A_155 = arith.cmpi ne, %convert_element_type3A_153, %cond3A_154 : i32
      scf.if %cond3A_155 {
        %ge3A_371 = arith.constant 2 : i32
        %ge3A_372 = arith.cmpi sge, %add3A_114, %ge3A_371 : i32
        %convert_element_type3A_373 = arith.extui %ge3A_372 : i1 to i32
        %cond3A_374 = arith.constant 0 : i32
        %cond3A_375 = arith.cmpi ne, %convert_element_type3A_373, %cond3A_374 : i32
        scf.if %cond3A_375 {
          %dma_wait3A_384 = arith.constant 0 : i32
          %dma_wait3A_385 = tpu.memref_slice %arg5[%mul3A_2, %dma_wait3A_384] : memref<32768x2048xf32, #tpu.memory_space<hbm>> -> memref<8x2048xf32, #tpu.memory_space<hbm>>
          %dma_wait3A_386 = arith.constant 0 : i32
          %dma_wait3A_387 = tpu.memref_slice %arg5[%mul3A_2, %dma_wait3A_386] : memref<32768x2048xf32, #tpu.memory_space<hbm>> -> memref<8x2048xf32, #tpu.memory_space<hbm>>
          tpu.wait_dma2 semaphore(%arg24 : memref<!tpu.dma_semaphore, #tpu.memory_space<semaphore_mem>>) src(%arg12 : memref<8x2048xf32, #tpu.memory_space<vmem>>) dst(%dma_wait3A_387 : memref<8x2048xf32, #tpu.memory_space<hbm>>)
        } else {
        }
        %add3A_376 = arith.constant 4 : i32
        %add3A_377 = arith.addi %add3A_114, %add3A_376 : i32
        %mul3A_378 = arith.constant 8 : i32
        %mul3A_379 = arith.muli %add3A_377, %mul3A_378 : i32
        %dma_start3A_380 = tpu.memref_slice %arg7[%mul3A_379] : memref<1024xi32, #tpu.memory_space<vmem>> -> memref<8xi32, #tpu.memory_space<vmem>>
        %dma_start3A_381 = arith.constant 0 : i32
        %dma_start3A_382 = arith.constant 0 : i32
        %dma_start3A_383 = tpu.memref_slice %arg3[%dma_start3A_381, %dma_start3A_382] : memref<49152x2048xf32, #tpu.memory_space<hbm>> -> memref<49152x2048xf32, #tpu.memory_space<hbm>>
        tpu.enqueue_indirect_dma source(%dma_start3A_383 : memref<49152x2048xf32, #tpu.memory_space<hbm>>) target(%arg12 : memref<8x2048xf32, #tpu.memory_space<vmem>>) offsets(%dma_start3A_380 : memref<8xi32, #tpu.memory_space<vmem>>) semaphore(%arg18 : memref<!tpu.dma_semaphore, #tpu.memory_space<semaphore_mem>>)
      } else {
      }
      %add3A_156 = arith.constant 1 : i32
      %add3A_157 = arith.addi %mul3A_112, %add3A_156 : i32
      %dma_wait3A_158 = arith.constant 0 : i32
      %dma_wait3A_159 = arith.constant 0 : i32
      %dma_wait3A_160 = tpu.memref_slice %arg3[%dma_wait3A_158, %dma_wait3A_159] : memref<49152x2048xf32, #tpu.memory_space<hbm>> -> memref<8x2048xf32, #tpu.memory_space<hbm>>
      %dma_wait3A_161 = arith.constant 0 : i32
      %dma_wait3A_162 = arith.constant 0 : i32
      %dma_wait3A_163 = tpu.memref_slice %arg3[%dma_wait3A_161, %dma_wait3A_162] : memref<49152x2048xf32, #tpu.memory_space<hbm>> -> memref<8x2048xf32, #tpu.memory_space<hbm>>
      tpu.wait_dma2 semaphore(%arg15 : memref<!tpu.dma_semaphore, #tpu.memory_space<semaphore_mem>>) src(%dma_wait3A_163 : memref<8x2048xf32, #tpu.memory_space<hbm>>) dst(%arg9 : memref<8x2048xf32, #tpu.memory_space<vmem>>)
      %mul3A_164 = arith.constant 8 : i32
      %mul3A_165 = arith.muli %add3A_157, %mul3A_164 : i32
      %get3A_166 = arith.index_cast %mul3A_165 : i32 to index
      %get3A_167 = tpu.vector_load %arg6[%get3A_166] {strides = array<i32>} : memref<1040xi32, #tpu.memory_space<vmem>>, vector<16xi32>,
      %ge3A_168 = arith.constant 49152 : i32
      %ge3A_169 = vector.broadcast %ge3A_168 : i32 to vector<16xi32>
      %ge3A_170 = arith.cmpi sge, %get3A_167, %ge3A_169 : vector<16xi32>
      %lt3A_171 = arith.constant 8 : i32
      %lt3A_172 = vector.broadcast %lt3A_171 : i32 to vector<16xi32>
      %lt3A_173 = arith.cmpi slt, %iota3A, %lt3A_172 : vector<16xi32>
      %and3A_174 = arith.andi %ge3A_170, %lt3A_173 : vector<16xi1>
      %convert_element_type3A_175 = arith.extui %and3A_174 : vector<16xi1> to vector<16xi32>
      %reduce_sum3A_176 = arith.constant true
      %reduce_sum3A_177 = vector.broadcast %reduce_sum3A_176 : i1 to vector<16xi1>
      %reduce_sum3A_178 = tpu.scan <sum>, %convert_element_type3A_175 masked %reduce_sum3A_177 : vector<16xi32>, vector<16xi1> -> vector<16xi32>
      %reduce_sum3A_179 = vector.extract %reduce_sum3A_178[15] : i32 from vector<16xi32>
      %gt3A_180 = arith.constant 0 : i32
      %gt3A_181 = arith.cmpi sgt, %reduce_sum3A_179, %gt3A_180 : i32
      %convert_element_type3A_182 = arith.extui %gt3A_181 : i1 to i32
      %cond3A_183 = arith.constant 0 : i32
      %cond3A_184 = arith.cmpi ne, %convert_element_type3A_182, %cond3A_183 : i32
      scf.if %cond3A_184 {
        %while3A = scf.while (%while3A_371 = %convert_element_type3A_175) : (vector<16xi32>) -> vector<16xi32> {
          %reduce_sum3A_372 = arith.constant true
          %reduce_sum3A_373 = vector.broadcast %reduce_sum3A_372 : i1 to vector<16xi1>
          %reduce_sum3A_374 = tpu.scan <sum>, %while3A_371 masked %reduce_sum3A_373 : vector<16xi32>, vector<16xi1> -> vector<16xi32>
          %reduce_sum3A_375 = vector.extract %reduce_sum3A_374[15] : i32 from vector<16xi32>
          %gt3A_376 = arith.constant 0 : i32
          %gt3A_377 = arith.cmpi sgt, %reduce_sum3A_375, %gt3A_376 : i32
          scf.condition(%gt3A_377) %while3A_371 : vector<16xi32>
        } do {
        ^bb0(%while3A_371: vector<16xi32>):
          %gt3A_372 = arith.constant 0 : i32
          %gt3A_373 = vector.broadcast %gt3A_372 : i32 to vector<16xi32>
          %gt3A_374 = arith.cmpi sgt, %while3A_371, %gt3A_373 : vector<16xi32>
          %shift_left3A = arith.constant 9 : i32
          %shift_left3A_375 = vector.broadcast %shift_left3A : i32 to vector<16xi32>
          %shift_left3A_376 = arith.shli %iota3A, %shift_left3A_375 : vector<16xi32>
          %sub3A = arith.constant 49152 : i32
          %sub3A_377 = vector.broadcast %sub3A : i32 to vector<16xi32>
          %sub3A_378 = arith.subi %get3A_167, %sub3A_377 : vector<16xi32>
          %or3A = arith.ori %shift_left3A_376, %sub3A_378 : vector<16xi32>
          %jit3A = arith.constant 1073741824 : i32
          %broadcast_in_dim3A = vector.broadcast %jit3A : i32 to vector<16xi32>
          %select_n3A = arith.select %gt3A_374, %or3A, %broadcast_in_dim3A : vector<16xi1>, vector<16xi32>
          %reduce_min3A = arith.constant true
          %reduce_min3A_379 = vector.broadcast %reduce_min3A : i1 to vector<16xi1>
          %reduce_min3A_380 = arith.constant -2147483648 : i32
          %reduce_min3A_381 = vector.broadcast %reduce_min3A_380 : i32 to vector<16xi32>
          %reduce_min3A_382 = arith.xori %select_n3A, %reduce_min3A_381 : vector<16xi32>
          %reduce_min3A_383 = tpu.scan <min>, %reduce_min3A_382 masked %reduce_min3A_379 : vector<16xi32>, vector<16xi1> -> vector<16xi32>
          %reduce_min3A_384 = arith.xori %reduce_min3A_383, %reduce_min3A_381 : vector<16xi32>
          %reduce_min3A_385 = vector.extract %reduce_min3A_384[15] : i32 from vector<16xi32>
          %shift_right_arithmetic3A = arith.constant 9 : i32
          %shift_right_arithmetic3A_386 = arith.shrsi %reduce_min3A_385, %shift_right_arithmetic3A : i32
          %and3A_387 = arith.constant 511 : i32
          %and3A_388 = arith.andi %reduce_min3A_385, %and3A_387 : i32
          "tpu.region"() ({
            %run_scoped3A = tpu.sem_alloc : memref<!tpu.dma_semaphore, #tpu.memory_space<semaphore_mem>>
            %dma_start3A_393 = arith.constant 0 : i32
            %dma_start3A_394 = tpu.memref_slice %arg9[%shift_right_arithmetic3A_386, %dma_start3A_393] : memref<8x2048xf32, #tpu.memory_space<vmem>> -> memref<1x2048xf32, #tpu.memory_space<vmem>>
            %dma_start3A_395 = arith.constant 0 : i32
            %dma_start3A_396 = tpu.memref_slice %arg4[%and3A_388, %dma_start3A_395] : memref<258x2048xf32, #tpu.memory_space<hbm>> -> memref<1x2048xf32, #tpu.memory_space<hbm>>
            %dma_start3A_397 = arith.constant 0 : i32
            %dma_start3A_398 = tpu.memref_slice %arg9[%shift_right_arithmetic3A_386, %dma_start3A_397] : memref<8x2048xf32, #tpu.memory_space<vmem>> -> memref<1x2048xf32, #tpu.memory_space<vmem>>
            %dma_start3A_399 = arith.constant 0 : i32
            %dma_start3A_400 = tpu.memref_slice %arg4[%and3A_388, %dma_start3A_399] : memref<258x2048xf32, #tpu.memory_space<hbm>> -> memref<1x2048xf32, #tpu.memory_space<hbm>>
            tpu.enqueue_dma source(%dma_start3A_400 : memref<1x2048xf32, #tpu.memory_space<hbm>>) target(%dma_start3A_398 : memref<1x2048xf32, #tpu.memory_space<vmem>>) target_semaphore(%run_scoped3A : memref<!tpu.dma_semaphore, #tpu.memory_space<semaphore_mem>>)
            %dma_wait3A_401 = arith.constant 0 : i32
            %dma_wait3A_402 = tpu.memref_slice %arg9[%shift_right_arithmetic3A_386, %dma_wait3A_401] : memref<8x2048xf32, #tpu.memory_space<vmem>> -> memref<1x2048xf32, #tpu.memory_space<vmem>>
            %dma_wait3A_403 = arith.constant 0 : i32
            %dma_wait3A_404 = tpu.memref_slice %arg4[%and3A_388, %dma_wait3A_403] : memref<258x2048xf32, #tpu.memory_space<hbm>> -> memref<1x2048xf32, #tpu.memory_space<hbm>>
            %dma_wait3A_405 = arith.constant 0 : i32
            %dma_wait3A_406 = tpu.memref_slice %arg9[%shift_right_arithmetic3A_386, %dma_wait3A_405] : memref<8x2048xf32, #tpu.memory_space<vmem>> -> memref<1x2048xf32, #tpu.memory_space<vmem>>
            %dma_wait3A_407 = arith.constant 0 : i32
            %dma_wait3A_408 = tpu.memref_slice %arg4[%and3A_388, %dma_wait3A_407] : memref<258x2048xf32, #tpu.memory_space<hbm>> -> memref<1x2048xf32, #tpu.memory_space<hbm>>
            tpu.wait_dma2 semaphore(%run_scoped3A : memref<!tpu.dma_semaphore, #tpu.memory_space<semaphore_mem>>) src(%dma_wait3A_408 : memref<1x2048xf32, #tpu.memory_space<hbm>>) dst(%dma_wait3A_406 : memref<1x2048xf32, #tpu.memory_space<vmem>>)
            tpu.yield
          }) : () -> ()
          %eq3A = vector.broadcast %shift_right_arithmetic3A_386 : i32 to vector<16xi32>
          %eq3A_389 = arith.cmpi eq, %iota3A, %eq3A : vector<16xi32>
          %jit3A_390 = arith.constant 0 : i32
          %broadcast_in_dim3A_391 = vector.broadcast %jit3A_390 : i32 to vector<16xi32>
          %select_n3A_392 = arith.select %eq3A_389, %broadcast_in_dim3A_391, %while3A_371 : vector<16xi1>, vector<16xi32>
          scf.yield %select_n3A_392 : vector<16xi32>
        }
      } else {
      }
      %mul3A_185 = arith.constant 8 : i32
      %mul3A_186 = arith.muli %add3A_157, %mul3A_185 : i32
      %add3A_187 = arith.addi %mul3A_2, %mul3A_186 : i32
      %dma_start3A_188 = arith.constant 0 : i32
      %dma_start3A_189 = tpu.memref_slice %arg5[%add3A_187, %dma_start3A_188] : memref<32768x2048xf32, #tpu.memory_space<hbm>> -> memref<8x2048xf32, #tpu.memory_space<hbm>>
      %dma_start3A_190 = arith.constant 0 : i32
      %dma_start3A_191 = tpu.memref_slice %arg5[%add3A_187, %dma_start3A_190] : memref<32768x2048xf32, #tpu.memory_space<hbm>> -> memref<8x2048xf32, #tpu.memory_space<hbm>>
      tpu.enqueue_dma source(%arg9 : memref<8x2048xf32, #tpu.memory_space<vmem>>) target(%dma_start3A_191 : memref<8x2048xf32, #tpu.memory_space<hbm>>) target_semaphore(%arg21 : memref<!tpu.dma_semaphore, #tpu.memory_space<semaphore_mem>>)
      %add3A_192 = arith.constant 4 : i32
      %add3A_193 = arith.addi %add3A_157, %add3A_192 : i32
      %lt3A_194 = arith.constant 128 : i32
      %lt3A_195 = arith.cmpi slt, %add3A_193, %lt3A_194 : i32
      %convert_element_type3A_196 = arith.extui %lt3A_195 : i1 to i32
      %cond3A_197 = arith.constant 0 : i32
      %cond3A_198 = arith.cmpi ne, %convert_element_type3A_196, %cond3A_197 : i32
      scf.if %cond3A_198 {
        %ge3A_371 = arith.constant 2 : i32
        %ge3A_372 = arith.cmpi sge, %add3A_157, %ge3A_371 : i32
        %convert_element_type3A_373 = arith.extui %ge3A_372 : i1 to i32
        %cond3A_374 = arith.constant 0 : i32
        %cond3A_375 = arith.cmpi ne, %convert_element_type3A_373, %cond3A_374 : i32
        scf.if %cond3A_375 {
          %dma_wait3A_384 = arith.constant 0 : i32
          %dma_wait3A_385 = tpu.memref_slice %arg5[%mul3A_2, %dma_wait3A_384] : memref<32768x2048xf32, #tpu.memory_space<hbm>> -> memref<8x2048xf32, #tpu.memory_space<hbm>>
          %dma_wait3A_386 = arith.constant 0 : i32
          %dma_wait3A_387 = tpu.memref_slice %arg5[%mul3A_2, %dma_wait3A_386] : memref<32768x2048xf32, #tpu.memory_space<hbm>> -> memref<8x2048xf32, #tpu.memory_space<hbm>>
          tpu.wait_dma2 semaphore(%arg25 : memref<!tpu.dma_semaphore, #tpu.memory_space<semaphore_mem>>) src(%arg13 : memref<8x2048xf32, #tpu.memory_space<vmem>>) dst(%dma_wait3A_387 : memref<8x2048xf32, #tpu.memory_space<hbm>>)
        } else {
        }
        %add3A_376 = arith.constant 4 : i32
        %add3A_377 = arith.addi %add3A_157, %add3A_376 : i32
        %mul3A_378 = arith.constant 8 : i32
        %mul3A_379 = arith.muli %add3A_377, %mul3A_378 : i32
        %dma_start3A_380 = tpu.memref_slice %arg7[%mul3A_379] : memref<1024xi32, #tpu.memory_space<vmem>> -> memref<8xi32, #tpu.memory_space<vmem>>
        %dma_start3A_381 = arith.constant 0 : i32
        %dma_start3A_382 = arith.constant 0 : i32
        %dma_start3A_383 = tpu.memref_slice %arg3[%dma_start3A_381, %dma_start3A_382] : memref<49152x2048xf32, #tpu.memory_space<hbm>> -> memref<49152x2048xf32, #tpu.memory_space<hbm>>
        tpu.enqueue_indirect_dma source(%dma_start3A_383 : memref<49152x2048xf32, #tpu.memory_space<hbm>>) target(%arg13 : memref<8x2048xf32, #tpu.memory_space<vmem>>) offsets(%dma_start3A_380 : memref<8xi32, #tpu.memory_space<vmem>>) semaphore(%arg19 : memref<!tpu.dma_semaphore, #tpu.memory_space<semaphore_mem>>)
      } else {
      }
      %add3A_199 = arith.constant 2 : i32
      %add3A_200 = arith.addi %mul3A_112, %add3A_199 : i32
      %dma_wait3A_201 = arith.constant 0 : i32
      %dma_wait3A_202 = arith.constant 0 : i32
      %dma_wait3A_203 = tpu.memref_slice %arg3[%dma_wait3A_201, %dma_wait3A_202] : memref<49152x2048xf32, #tpu.memory_space<hbm>> -> memref<8x2048xf32, #tpu.memory_space<hbm>>
      %dma_wait3A_204 = arith.constant 0 : i32
      %dma_wait3A_205 = arith.constant 0 : i32
      %dma_wait3A_206 = tpu.memref_slice %arg3[%dma_wait3A_204, %dma_wait3A_205] : memref<49152x2048xf32, #tpu.memory_space<hbm>> -> memref<8x2048xf32, #tpu.memory_space<hbm>>
      tpu.wait_dma2 semaphore(%arg16 : memref<!tpu.dma_semaphore, #tpu.memory_space<semaphore_mem>>) src(%dma_wait3A_206 : memref<8x2048xf32, #tpu.memory_space<hbm>>) dst(%arg10 : memref<8x2048xf32, #tpu.memory_space<vmem>>)
      %mul3A_207 = arith.constant 8 : i32
      %mul3A_208 = arith.muli %add3A_200, %mul3A_207 : i32
      %get3A_209 = arith.index_cast %mul3A_208 : i32 to index
      %get3A_210 = tpu.vector_load %arg6[%get3A_209] {strides = array<i32>} : memref<1040xi32, #tpu.memory_space<vmem>>, vector<16xi32>,
      %ge3A_211 = arith.constant 49152 : i32
      %ge3A_212 = vector.broadcast %ge3A_211 : i32 to vector<16xi32>
      %ge3A_213 = arith.cmpi sge, %get3A_210, %ge3A_212 : vector<16xi32>
      %lt3A_214 = arith.constant 8 : i32
      %lt3A_215 = vector.broadcast %lt3A_214 : i32 to vector<16xi32>
      %lt3A_216 = arith.cmpi slt, %iota3A, %lt3A_215 : vector<16xi32>
      %and3A_217 = arith.andi %ge3A_213, %lt3A_216 : vector<16xi1>
      %convert_element_type3A_218 = arith.extui %and3A_217 : vector<16xi1> to vector<16xi32>
      %reduce_sum3A_219 = arith.constant true
      %reduce_sum3A_220 = vector.broadcast %reduce_sum3A_219 : i1 to vector<16xi1>
      %reduce_sum3A_221 = tpu.scan <sum>, %convert_element_type3A_218 masked %reduce_sum3A_220 : vector<16xi32>, vector<16xi1> -> vector<16xi32>
      %reduce_sum3A_222 = vector.extract %reduce_sum3A_221[15] : i32 from vector<16xi32>
      %gt3A_223 = arith.constant 0 : i32
      %gt3A_224 = arith.cmpi sgt, %reduce_sum3A_222, %gt3A_223 : i32
      %convert_element_type3A_225 = arith.extui %gt3A_224 : i1 to i32
      %cond3A_226 = arith.constant 0 : i32
      %cond3A_227 = arith.cmpi ne, %convert_element_type3A_225, %cond3A_226 : i32
      scf.if %cond3A_227 {
        %while3A = scf.while (%while3A_371 = %convert_element_type3A_218) : (vector<16xi32>) -> vector<16xi32> {
          %reduce_sum3A_372 = arith.constant true
          %reduce_sum3A_373 = vector.broadcast %reduce_sum3A_372 : i1 to vector<16xi1>
          %reduce_sum3A_374 = tpu.scan <sum>, %while3A_371 masked %reduce_sum3A_373 : vector<16xi32>, vector<16xi1> -> vector<16xi32>
          %reduce_sum3A_375 = vector.extract %reduce_sum3A_374[15] : i32 from vector<16xi32>
          %gt3A_376 = arith.constant 0 : i32
          %gt3A_377 = arith.cmpi sgt, %reduce_sum3A_375, %gt3A_376 : i32
          scf.condition(%gt3A_377) %while3A_371 : vector<16xi32>
        } do {
        ^bb0(%while3A_371: vector<16xi32>):
          %gt3A_372 = arith.constant 0 : i32
          %gt3A_373 = vector.broadcast %gt3A_372 : i32 to vector<16xi32>
          %gt3A_374 = arith.cmpi sgt, %while3A_371, %gt3A_373 : vector<16xi32>
          %shift_left3A = arith.constant 9 : i32
          %shift_left3A_375 = vector.broadcast %shift_left3A : i32 to vector<16xi32>
          %shift_left3A_376 = arith.shli %iota3A, %shift_left3A_375 : vector<16xi32>
          %sub3A = arith.constant 49152 : i32
          %sub3A_377 = vector.broadcast %sub3A : i32 to vector<16xi32>
          %sub3A_378 = arith.subi %get3A_210, %sub3A_377 : vector<16xi32>
          %or3A = arith.ori %shift_left3A_376, %sub3A_378 : vector<16xi32>
          %jit3A = arith.constant 1073741824 : i32
          %broadcast_in_dim3A = vector.broadcast %jit3A : i32 to vector<16xi32>
          %select_n3A = arith.select %gt3A_374, %or3A, %broadcast_in_dim3A : vector<16xi1>, vector<16xi32>
          %reduce_min3A = arith.constant true
          %reduce_min3A_379 = vector.broadcast %reduce_min3A : i1 to vector<16xi1>
          %reduce_min3A_380 = arith.constant -2147483648 : i32
          %reduce_min3A_381 = vector.broadcast %reduce_min3A_380 : i32 to vector<16xi32>
          %reduce_min3A_382 = arith.xori %select_n3A, %reduce_min3A_381 : vector<16xi32>
          %reduce_min3A_383 = tpu.scan <min>, %reduce_min3A_382 masked %reduce_min3A_379 : vector<16xi32>, vector<16xi1> -> vector<16xi32>
          %reduce_min3A_384 = arith.xori %reduce_min3A_383, %reduce_min3A_381 : vector<16xi32>
          %reduce_min3A_385 = vector.extract %reduce_min3A_384[15] : i32 from vector<16xi32>
          %shift_right_arithmetic3A = arith.constant 9 : i32
          %shift_right_arithmetic3A_386 = arith.shrsi %reduce_min3A_385, %shift_right_arithmetic3A : i32
          %and3A_387 = arith.constant 511 : i32
          %and3A_388 = arith.andi %reduce_min3A_385, %and3A_387 : i32
          "tpu.region"() ({
            %run_scoped3A = tpu.sem_alloc : memref<!tpu.dma_semaphore, #tpu.memory_space<semaphore_mem>>
            %dma_start3A_393 = arith.constant 0 : i32
            %dma_start3A_394 = tpu.memref_slice %arg10[%shift_right_arithmetic3A_386, %dma_start3A_393] : memref<8x2048xf32, #tpu.memory_space<vmem>> -> memref<1x2048xf32, #tpu.memory_space<vmem>>
            %dma_start3A_395 = arith.constant 0 : i32
            %dma_start3A_396 = tpu.memref_slice %arg4[%and3A_388, %dma_start3A_395] : memref<258x2048xf32, #tpu.memory_space<hbm>> -> memref<1x2048xf32, #tpu.memory_space<hbm>>
            %dma_start3A_397 = arith.constant 0 : i32
            %dma_start3A_398 = tpu.memref_slice %arg10[%shift_right_arithmetic3A_386, %dma_start3A_397] : memref<8x2048xf32, #tpu.memory_space<vmem>> -> memref<1x2048xf32, #tpu.memory_space<vmem>>
            %dma_start3A_399 = arith.constant 0 : i32
            %dma_start3A_400 = tpu.memref_slice %arg4[%and3A_388, %dma_start3A_399] : memref<258x2048xf32, #tpu.memory_space<hbm>> -> memref<1x2048xf32, #tpu.memory_space<hbm>>
            tpu.enqueue_dma source(%dma_start3A_400 : memref<1x2048xf32, #tpu.memory_space<hbm>>) target(%dma_start3A_398 : memref<1x2048xf32, #tpu.memory_space<vmem>>) target_semaphore(%run_scoped3A : memref<!tpu.dma_semaphore, #tpu.memory_space<semaphore_mem>>)
            %dma_wait3A_401 = arith.constant 0 : i32
            %dma_wait3A_402 = tpu.memref_slice %arg10[%shift_right_arithmetic3A_386, %dma_wait3A_401] : memref<8x2048xf32, #tpu.memory_space<vmem>> -> memref<1x2048xf32, #tpu.memory_space<vmem>>
            %dma_wait3A_403 = arith.constant 0 : i32
            %dma_wait3A_404 = tpu.memref_slice %arg4[%and3A_388, %dma_wait3A_403] : memref<258x2048xf32, #tpu.memory_space<hbm>> -> memref<1x2048xf32, #tpu.memory_space<hbm>>
            %dma_wait3A_405 = arith.constant 0 : i32
            %dma_wait3A_406 = tpu.memref_slice %arg10[%shift_right_arithmetic3A_386, %dma_wait3A_405] : memref<8x2048xf32, #tpu.memory_space<vmem>> -> memref<1x2048xf32, #tpu.memory_space<vmem>>
            %dma_wait3A_407 = arith.constant 0 : i32
            %dma_wait3A_408 = tpu.memref_slice %arg4[%and3A_388, %dma_wait3A_407] : memref<258x2048xf32, #tpu.memory_space<hbm>> -> memref<1x2048xf32, #tpu.memory_space<hbm>>
            tpu.wait_dma2 semaphore(%run_scoped3A : memref<!tpu.dma_semaphore, #tpu.memory_space<semaphore_mem>>) src(%dma_wait3A_408 : memref<1x2048xf32, #tpu.memory_space<hbm>>) dst(%dma_wait3A_406 : memref<1x2048xf32, #tpu.memory_space<vmem>>)
            tpu.yield
          }) : () -> ()
          %eq3A = vector.broadcast %shift_right_arithmetic3A_386 : i32 to vector<16xi32>
          %eq3A_389 = arith.cmpi eq, %iota3A, %eq3A : vector<16xi32>
          %jit3A_390 = arith.constant 0 : i32
          %broadcast_in_dim3A_391 = vector.broadcast %jit3A_390 : i32 to vector<16xi32>
          %select_n3A_392 = arith.select %eq3A_389, %broadcast_in_dim3A_391, %while3A_371 : vector<16xi1>, vector<16xi32>
          scf.yield %select_n3A_392 : vector<16xi32>
        }
      } else {
      }
      %mul3A_228 = arith.constant 8 : i32
      %mul3A_229 = arith.muli %add3A_200, %mul3A_228 : i32
      %add3A_230 = arith.addi %mul3A_2, %mul3A_229 : i32
      %dma_start3A_231 = arith.constant 0 : i32
      %dma_start3A_232 = tpu.memref_slice %arg5[%add3A_230, %dma_start3A_231] : memref<32768x2048xf32, #tpu.memory_space<hbm>> -> memref<8x2048xf32, #tpu.memory_space<hbm>>
      %dma_start3A_233 = arith.constant 0 : i32
      %dma_start3A_234 = tpu.memref_slice %arg5[%add3A_230, %dma_start3A_233] : memref<32768x2048xf32, #tpu.memory_space<hbm>> -> memref<8x2048xf32, #tpu.memory_space<hbm>>
      tpu.enqueue_dma source(%arg10 : memref<8x2048xf32, #tpu.memory_space<vmem>>) target(%dma_start3A_234 : memref<8x2048xf32, #tpu.memory_space<hbm>>) target_semaphore(%arg22 : memref<!tpu.dma_semaphore, #tpu.memory_space<semaphore_mem>>)
      %add3A_235 = arith.constant 4 : i32
      %add3A_236 = arith.addi %add3A_200, %add3A_235 : i32
      %lt3A_237 = arith.constant 128 : i32
      %lt3A_238 = arith.cmpi slt, %add3A_236, %lt3A_237 : i32
      %convert_element_type3A_239 = arith.extui %lt3A_238 : i1 to i32
      %cond3A_240 = arith.constant 0 : i32
      %cond3A_241 = arith.cmpi ne, %convert_element_type3A_239, %cond3A_240 : i32
      scf.if %cond3A_241 {
        %ge3A_371 = arith.constant 2 : i32
        %ge3A_372 = arith.cmpi sge, %add3A_200, %ge3A_371 : i32
        %convert_element_type3A_373 = arith.extui %ge3A_372 : i1 to i32
        %cond3A_374 = arith.constant 0 : i32
        %cond3A_375 = arith.cmpi ne, %convert_element_type3A_373, %cond3A_374 : i32
        scf.if %cond3A_375 {
          %dma_wait3A_384 = arith.constant 0 : i32
          %dma_wait3A_385 = tpu.memref_slice %arg5[%mul3A_2, %dma_wait3A_384] : memref<32768x2048xf32, #tpu.memory_space<hbm>> -> memref<8x2048xf32, #tpu.memory_space<hbm>>
          %dma_wait3A_386 = arith.constant 0 : i32
          %dma_wait3A_387 = tpu.memref_slice %arg5[%mul3A_2, %dma_wait3A_386] : memref<32768x2048xf32, #tpu.memory_space<hbm>> -> memref<8x2048xf32, #tpu.memory_space<hbm>>
          tpu.wait_dma2 semaphore(%arg20 : memref<!tpu.dma_semaphore, #tpu.memory_space<semaphore_mem>>) src(%arg8 : memref<8x2048xf32, #tpu.memory_space<vmem>>) dst(%dma_wait3A_387 : memref<8x2048xf32, #tpu.memory_space<hbm>>)
        } else {
        }
        %add3A_376 = arith.constant 4 : i32
        %add3A_377 = arith.addi %add3A_200, %add3A_376 : i32
        %mul3A_378 = arith.constant 8 : i32
        %mul3A_379 = arith.muli %add3A_377, %mul3A_378 : i32
        %dma_start3A_380 = tpu.memref_slice %arg7[%mul3A_379] : memref<1024xi32, #tpu.memory_space<vmem>> -> memref<8xi32, #tpu.memory_space<vmem>>
        %dma_start3A_381 = arith.constant 0 : i32
        %dma_start3A_382 = arith.constant 0 : i32
        %dma_start3A_383 = tpu.memref_slice %arg3[%dma_start3A_381, %dma_start3A_382] : memref<49152x2048xf32, #tpu.memory_space<hbm>> -> memref<49152x2048xf32, #tpu.memory_space<hbm>>
        tpu.enqueue_indirect_dma source(%dma_start3A_383 : memref<49152x2048xf32, #tpu.memory_space<hbm>>) target(%arg8 : memref<8x2048xf32, #tpu.memory_space<vmem>>) offsets(%dma_start3A_380 : memref<8xi32, #tpu.memory_space<vmem>>) semaphore(%arg14 : memref<!tpu.dma_semaphore, #tpu.memory_space<semaphore_mem>>)
      } else {
      }
      %add3A_242 = arith.constant 3 : i32
      %add3A_243 = arith.addi %mul3A_112, %add3A_242 : i32
      %dma_wait3A_244 = arith.constant 0 : i32
      %dma_wait3A_245 = arith.constant 0 : i32
      %dma_wait3A_246 = tpu.memref_slice %arg3[%dma_wait3A_244, %dma_wait3A_245] : memref<49152x2048xf32, #tpu.memory_space<hbm>> -> memref<8x2048xf32, #tpu.memory_space<hbm>>
      %dma_wait3A_247 = arith.constant 0 : i32
      %dma_wait3A_248 = arith.constant 0 : i32
      %dma_wait3A_249 = tpu.memref_slice %arg3[%dma_wait3A_247, %dma_wait3A_248] : memref<49152x2048xf32, #tpu.memory_space<hbm>> -> memref<8x2048xf32, #tpu.memory_space<hbm>>
      tpu.wait_dma2 semaphore(%arg17 : memref<!tpu.dma_semaphore, #tpu.memory_space<semaphore_mem>>) src(%dma_wait3A_249 : memref<8x2048xf32, #tpu.memory_space<hbm>>) dst(%arg11 : memref<8x2048xf32, #tpu.memory_space<vmem>>)
      %mul3A_250 = arith.constant 8 : i32
      %mul3A_251 = arith.muli %add3A_243, %mul3A_250 : i32
      %get3A_252 = arith.index_cast %mul3A_251 : i32 to index
      %get3A_253 = tpu.vector_load %arg6[%get3A_252] {strides = array<i32>} : memref<1040xi32, #tpu.memory_space<vmem>>, vector<16xi32>,
      %ge3A_254 = arith.constant 49152 : i32
      %ge3A_255 = vector.broadcast %ge3A_254 : i32 to vector<16xi32>
      %ge3A_256 = arith.cmpi sge, %get3A_253, %ge3A_255 : vector<16xi32>
      %lt3A_257 = arith.constant 8 : i32
      %lt3A_258 = vector.broadcast %lt3A_257 : i32 to vector<16xi32>
      %lt3A_259 = arith.cmpi slt, %iota3A, %lt3A_258 : vector<16xi32>
      %and3A_260 = arith.andi %ge3A_256, %lt3A_259 : vector<16xi1>
      %convert_element_type3A_261 = arith.extui %and3A_260 : vector<16xi1> to vector<16xi32>
      %reduce_sum3A_262 = arith.constant true
      %reduce_sum3A_263 = vector.broadcast %reduce_sum3A_262 : i1 to vector<16xi1>
      %reduce_sum3A_264 = tpu.scan <sum>, %convert_element_type3A_261 masked %reduce_sum3A_263 : vector<16xi32>, vector<16xi1> -> vector<16xi32>
      %reduce_sum3A_265 = vector.extract %reduce_sum3A_264[15] : i32 from vector<16xi32>
      %gt3A_266 = arith.constant 0 : i32
      %gt3A_267 = arith.cmpi sgt, %reduce_sum3A_265, %gt3A_266 : i32
      %convert_element_type3A_268 = arith.extui %gt3A_267 : i1 to i32
      %cond3A_269 = arith.constant 0 : i32
      %cond3A_270 = arith.cmpi ne, %convert_element_type3A_268, %cond3A_269 : i32
      scf.if %cond3A_270 {
        %while3A = scf.while (%while3A_371 = %convert_element_type3A_261) : (vector<16xi32>) -> vector<16xi32> {
          %reduce_sum3A_372 = arith.constant true
          %reduce_sum3A_373 = vector.broadcast %reduce_sum3A_372 : i1 to vector<16xi1>
          %reduce_sum3A_374 = tpu.scan <sum>, %while3A_371 masked %reduce_sum3A_373 : vector<16xi32>, vector<16xi1> -> vector<16xi32>
          %reduce_sum3A_375 = vector.extract %reduce_sum3A_374[15] : i32 from vector<16xi32>
          %gt3A_376 = arith.constant 0 : i32
          %gt3A_377 = arith.cmpi sgt, %reduce_sum3A_375, %gt3A_376 : i32
          scf.condition(%gt3A_377) %while3A_371 : vector<16xi32>
        } do {
        ^bb0(%while3A_371: vector<16xi32>):
          %gt3A_372 = arith.constant 0 : i32
          %gt3A_373 = vector.broadcast %gt3A_372 : i32 to vector<16xi32>
          %gt3A_374 = arith.cmpi sgt, %while3A_371, %gt3A_373 : vector<16xi32>
          %shift_left3A = arith.constant 9 : i32
          %shift_left3A_375 = vector.broadcast %shift_left3A : i32 to vector<16xi32>
          %shift_left3A_376 = arith.shli %iota3A, %shift_left3A_375 : vector<16xi32>
          %sub3A = arith.constant 49152 : i32
          %sub3A_377 = vector.broadcast %sub3A : i32 to vector<16xi32>
          %sub3A_378 = arith.subi %get3A_253, %sub3A_377 : vector<16xi32>
          %or3A = arith.ori %shift_left3A_376, %sub3A_378 : vector<16xi32>
          %jit3A = arith.constant 1073741824 : i32
          %broadcast_in_dim3A = vector.broadcast %jit3A : i32 to vector<16xi32>
          %select_n3A = arith.select %gt3A_374, %or3A, %broadcast_in_dim3A : vector<16xi1>, vector<16xi32>
          %reduce_min3A = arith.constant true
          %reduce_min3A_379 = vector.broadcast %reduce_min3A : i1 to vector<16xi1>
          %reduce_min3A_380 = arith.constant -2147483648 : i32
          %reduce_min3A_381 = vector.broadcast %reduce_min3A_380 : i32 to vector<16xi32>
          %reduce_min3A_382 = arith.xori %select_n3A, %reduce_min3A_381 : vector<16xi32>
          %reduce_min3A_383 = tpu.scan <min>, %reduce_min3A_382 masked %reduce_min3A_379 : vector<16xi32>, vector<16xi1> -> vector<16xi32>
          %reduce_min3A_384 = arith.xori %reduce_min3A_383, %reduce_min3A_381 : vector<16xi32>
          %reduce_min3A_385 = vector.extract %reduce_min3A_384[15] : i32 from vector<16xi32>
          %shift_right_arithmetic3A = arith.constant 9 : i32
          %shift_right_arithmetic3A_386 = arith.shrsi %reduce_min3A_385, %shift_right_arithmetic3A : i32
          %and3A_387 = arith.constant 511 : i32
          %and3A_388 = arith.andi %reduce_min3A_385, %and3A_387 : i32
          "tpu.region"() ({
            %run_scoped3A = tpu.sem_alloc : memref<!tpu.dma_semaphore, #tpu.memory_space<semaphore_mem>>
            %dma_start3A_393 = arith.constant 0 : i32
            %dma_start3A_394 = tpu.memref_slice %arg11[%shift_right_arithmetic3A_386, %dma_start3A_393] : memref<8x2048xf32, #tpu.memory_space<vmem>> -> memref<1x2048xf32, #tpu.memory_space<vmem>>
            %dma_start3A_395 = arith.constant 0 : i32
            %dma_start3A_396 = tpu.memref_slice %arg4[%and3A_388, %dma_start3A_395] : memref<258x2048xf32, #tpu.memory_space<hbm>> -> memref<1x2048xf32, #tpu.memory_space<hbm>>
            %dma_start3A_397 = arith.constant 0 : i32
            %dma_start3A_398 = tpu.memref_slice %arg11[%shift_right_arithmetic3A_386, %dma_start3A_397] : memref<8x2048xf32, #tpu.memory_space<vmem>> -> memref<1x2048xf32, #tpu.memory_space<vmem>>
            %dma_start3A_399 = arith.constant 0 : i32
            %dma_start3A_400 = tpu.memref_slice %arg4[%and3A_388, %dma_start3A_399] : memref<258x2048xf32, #tpu.memory_space<hbm>> -> memref<1x2048xf32, #tpu.memory_space<hbm>>
            tpu.enqueue_dma source(%dma_start3A_400 : memref<1x2048xf32, #tpu.memory_space<hbm>>) target(%dma_start3A_398 : memref<1x2048xf32, #tpu.memory_space<vmem>>) target_semaphore(%run_scoped3A : memref<!tpu.dma_semaphore, #tpu.memory_space<semaphore_mem>>)
            %dma_wait3A_401 = arith.constant 0 : i32
            %dma_wait3A_402 = tpu.memref_slice %arg11[%shift_right_arithmetic3A_386, %dma_wait3A_401] : memref<8x2048xf32, #tpu.memory_space<vmem>> -> memref<1x2048xf32, #tpu.memory_space<vmem>>
            %dma_wait3A_403 = arith.constant 0 : i32
            %dma_wait3A_404 = tpu.memref_slice %arg4[%and3A_388, %dma_wait3A_403] : memref<258x2048xf32, #tpu.memory_space<hbm>> -> memref<1x2048xf32, #tpu.memory_space<hbm>>
            %dma_wait3A_405 = arith.constant 0 : i32
            %dma_wait3A_406 = tpu.memref_slice %arg11[%shift_right_arithmetic3A_386, %dma_wait3A_405] : memref<8x2048xf32, #tpu.memory_space<vmem>> -> memref<1x2048xf32, #tpu.memory_space<vmem>>
            %dma_wait3A_407 = arith.constant 0 : i32
            %dma_wait3A_408 = tpu.memref_slice %arg4[%and3A_388, %dma_wait3A_407] : memref<258x2048xf32, #tpu.memory_space<hbm>> -> memref<1x2048xf32, #tpu.memory_space<hbm>>
            tpu.wait_dma2 semaphore(%run_scoped3A : memref<!tpu.dma_semaphore, #tpu.memory_space<semaphore_mem>>) src(%dma_wait3A_408 : memref<1x2048xf32, #tpu.memory_space<hbm>>) dst(%dma_wait3A_406 : memref<1x2048xf32, #tpu.memory_space<vmem>>)
            tpu.yield
          }) : () -> ()
          %eq3A = vector.broadcast %shift_right_arithmetic3A_386 : i32 to vector<16xi32>
          %eq3A_389 = arith.cmpi eq, %iota3A, %eq3A : vector<16xi32>
          %jit3A_390 = arith.constant 0 : i32
          %broadcast_in_dim3A_391 = vector.broadcast %jit3A_390 : i32 to vector<16xi32>
          %select_n3A_392 = arith.select %eq3A_389, %broadcast_in_dim3A_391, %while3A_371 : vector<16xi1>, vector<16xi32>
          scf.yield %select_n3A_392 : vector<16xi32>
        }
      } else {
      }
      %mul3A_271 = arith.constant 8 : i32
      %mul3A_272 = arith.muli %add3A_243, %mul3A_271 : i32
      %add3A_273 = arith.addi %mul3A_2, %mul3A_272 : i32
      %dma_start3A_274 = arith.constant 0 : i32
      %dma_start3A_275 = tpu.memref_slice %arg5[%add3A_273, %dma_start3A_274] : memref<32768x2048xf32, #tpu.memory_space<hbm>> -> memref<8x2048xf32, #tpu.memory_space<hbm>>
      %dma_start3A_276 = arith.constant 0 : i32
      %dma_start3A_277 = tpu.memref_slice %arg5[%add3A_273, %dma_start3A_276] : memref<32768x2048xf32, #tpu.memory_space<hbm>> -> memref<8x2048xf32, #tpu.memory_space<hbm>>
      tpu.enqueue_dma source(%arg11 : memref<8x2048xf32, #tpu.memory_space<vmem>>) target(%dma_start3A_277 : memref<8x2048xf32, #tpu.memory_space<hbm>>) target_semaphore(%arg23 : memref<!tpu.dma_semaphore, #tpu.memory_space<semaphore_mem>>)
      %add3A_278 = arith.constant 4 : i32
      %add3A_279 = arith.addi %add3A_243, %add3A_278 : i32
      %lt3A_280 = arith.constant 128 : i32
      %lt3A_281 = arith.cmpi slt, %add3A_279, %lt3A_280 : i32
      %convert_element_type3A_282 = arith.extui %lt3A_281 : i1 to i32
      %cond3A_283 = arith.constant 0 : i32
      %cond3A_284 = arith.cmpi ne, %convert_element_type3A_282, %cond3A_283 : i32
      scf.if %cond3A_284 {
        %ge3A_371 = arith.constant 2 : i32
        %ge3A_372 = arith.cmpi sge, %add3A_243, %ge3A_371 : i32
        %convert_element_type3A_373 = arith.extui %ge3A_372 : i1 to i32
        %cond3A_374 = arith.constant 0 : i32
        %cond3A_375 = arith.cmpi ne, %convert_element_type3A_373, %cond3A_374 : i32
        scf.if %cond3A_375 {
          %dma_wait3A_384 = arith.constant 0 : i32
          %dma_wait3A_385 = tpu.memref_slice %arg5[%mul3A_2, %dma_wait3A_384] : memref<32768x2048xf32, #tpu.memory_space<hbm>> -> memref<8x2048xf32, #tpu.memory_space<hbm>>
          %dma_wait3A_386 = arith.constant 0 : i32
          %dma_wait3A_387 = tpu.memref_slice %arg5[%mul3A_2, %dma_wait3A_386] : memref<32768x2048xf32, #tpu.memory_space<hbm>> -> memref<8x2048xf32, #tpu.memory_space<hbm>>
          tpu.wait_dma2 semaphore(%arg21 : memref<!tpu.dma_semaphore, #tpu.memory_space<semaphore_mem>>) src(%arg9 : memref<8x2048xf32, #tpu.memory_space<vmem>>) dst(%dma_wait3A_387 : memref<8x2048xf32, #tpu.memory_space<hbm>>)
        } else {
        }
        %add3A_376 = arith.constant 4 : i32
        %add3A_377 = arith.addi %add3A_243, %add3A_376 : i32
        %mul3A_378 = arith.constant 8 : i32
        %mul3A_379 = arith.muli %add3A_377, %mul3A_378 : i32
        %dma_start3A_380 = tpu.memref_slice %arg7[%mul3A_379] : memref<1024xi32, #tpu.memory_space<vmem>> -> memref<8xi32, #tpu.memory_space<vmem>>
        %dma_start3A_381 = arith.constant 0 : i32
        %dma_start3A_382 = arith.constant 0 : i32
        %dma_start3A_383 = tpu.memref_slice %arg3[%dma_start3A_381, %dma_start3A_382] : memref<49152x2048xf32, #tpu.memory_space<hbm>> -> memref<49152x2048xf32, #tpu.memory_space<hbm>>
        tpu.enqueue_indirect_dma source(%dma_start3A_383 : memref<49152x2048xf32, #tpu.memory_space<hbm>>) target(%arg9 : memref<8x2048xf32, #tpu.memory_space<vmem>>) offsets(%dma_start3A_380 : memref<8xi32, #tpu.memory_space<vmem>>) semaphore(%arg15 : memref<!tpu.dma_semaphore, #tpu.memory_space<semaphore_mem>>)
      } else {
      }
      %add3A_285 = arith.constant 4 : i32
      %add3A_286 = arith.addi %mul3A_112, %add3A_285 : i32
      %dma_wait3A_287 = arith.constant 0 : i32
      %dma_wait3A_288 = arith.constant 0 : i32
      %dma_wait3A_289 = tpu.memref_slice %arg3[%dma_wait3A_287, %dma_wait3A_288] : memref<49152x2048xf32, #tpu.memory_space<hbm>> -> memref<8x2048xf32, #tpu.memory_space<hbm>>
      %dma_wait3A_290 = arith.constant 0 : i32
      %dma_wait3A_291 = arith.constant 0 : i32
      %dma_wait3A_292 = tpu.memref_slice %arg3[%dma_wait3A_290, %dma_wait3A_291] : memref<49152x2048xf32, #tpu.memory_space<hbm>> -> memref<8x2048xf32, #tpu.memory_space<hbm>>
      tpu.wait_dma2 semaphore(%arg18 : memref<!tpu.dma_semaphore, #tpu.memory_space<semaphore_mem>>) src(%dma_wait3A_292 : memref<8x2048xf32, #tpu.memory_space<hbm>>) dst(%arg12 : memref<8x2048xf32, #tpu.memory_space<vmem>>)
      %mul3A_293 = arith.constant 8 : i32
      %mul3A_294 = arith.muli %add3A_286, %mul3A_293 : i32
      %get3A_295 = arith.index_cast %mul3A_294 : i32 to index
      %get3A_296 = tpu.vector_load %arg6[%get3A_295] {strides = array<i32>} : memref<1040xi32, #tpu.memory_space<vmem>>, vector<16xi32>,
      %ge3A_297 = arith.constant 49152 : i32
      %ge3A_298 = vector.broadcast %ge3A_297 : i32 to vector<16xi32>
      %ge3A_299 = arith.cmpi sge, %get3A_296, %ge3A_298 : vector<16xi32>
      %lt3A_300 = arith.constant 8 : i32
      %lt3A_301 = vector.broadcast %lt3A_300 : i32 to vector<16xi32>
      %lt3A_302 = arith.cmpi slt, %iota3A, %lt3A_301 : vector<16xi32>
      %and3A_303 = arith.andi %ge3A_299, %lt3A_302 : vector<16xi1>
      %convert_element_type3A_304 = arith.extui %and3A_303 : vector<16xi1> to vector<16xi32>
      %reduce_sum3A_305 = arith.constant true
      %reduce_sum3A_306 = vector.broadcast %reduce_sum3A_305 : i1 to vector<16xi1>
      %reduce_sum3A_307 = tpu.scan <sum>, %convert_element_type3A_304 masked %reduce_sum3A_306 : vector<16xi32>, vector<16xi1> -> vector<16xi32>
      %reduce_sum3A_308 = vector.extract %reduce_sum3A_307[15] : i32 from vector<16xi32>
      %gt3A_309 = arith.constant 0 : i32
      %gt3A_310 = arith.cmpi sgt, %reduce_sum3A_308, %gt3A_309 : i32
      %convert_element_type3A_311 = arith.extui %gt3A_310 : i1 to i32
      %cond3A_312 = arith.constant 0 : i32
      %cond3A_313 = arith.cmpi ne, %convert_element_type3A_311, %cond3A_312 : i32
      scf.if %cond3A_313 {
        %while3A = scf.while (%while3A_371 = %convert_element_type3A_304) : (vector<16xi32>) -> vector<16xi32> {
          %reduce_sum3A_372 = arith.constant true
          %reduce_sum3A_373 = vector.broadcast %reduce_sum3A_372 : i1 to vector<16xi1>
          %reduce_sum3A_374 = tpu.scan <sum>, %while3A_371 masked %reduce_sum3A_373 : vector<16xi32>, vector<16xi1> -> vector<16xi32>
          %reduce_sum3A_375 = vector.extract %reduce_sum3A_374[15] : i32 from vector<16xi32>
          %gt3A_376 = arith.constant 0 : i32
          %gt3A_377 = arith.cmpi sgt, %reduce_sum3A_375, %gt3A_376 : i32
          scf.condition(%gt3A_377) %while3A_371 : vector<16xi32>
        } do {
        ^bb0(%while3A_371: vector<16xi32>):
          %gt3A_372 = arith.constant 0 : i32
          %gt3A_373 = vector.broadcast %gt3A_372 : i32 to vector<16xi32>
          %gt3A_374 = arith.cmpi sgt, %while3A_371, %gt3A_373 : vector<16xi32>
          %shift_left3A = arith.constant 9 : i32
          %shift_left3A_375 = vector.broadcast %shift_left3A : i32 to vector<16xi32>
          %shift_left3A_376 = arith.shli %iota3A, %shift_left3A_375 : vector<16xi32>
          %sub3A = arith.constant 49152 : i32
          %sub3A_377 = vector.broadcast %sub3A : i32 to vector<16xi32>
          %sub3A_378 = arith.subi %get3A_296, %sub3A_377 : vector<16xi32>
          %or3A = arith.ori %shift_left3A_376, %sub3A_378 : vector<16xi32>
          %jit3A = arith.constant 1073741824 : i32
          %broadcast_in_dim3A = vector.broadcast %jit3A : i32 to vector<16xi32>
          %select_n3A = arith.select %gt3A_374, %or3A, %broadcast_in_dim3A : vector<16xi1>, vector<16xi32>
          %reduce_min3A = arith.constant true
          %reduce_min3A_379 = vector.broadcast %reduce_min3A : i1 to vector<16xi1>
          %reduce_min3A_380 = arith.constant -2147483648 : i32
          %reduce_min3A_381 = vector.broadcast %reduce_min3A_380 : i32 to vector<16xi32>
          %reduce_min3A_382 = arith.xori %select_n3A, %reduce_min3A_381 : vector<16xi32>
          %reduce_min3A_383 = tpu.scan <min>, %reduce_min3A_382 masked %reduce_min3A_379 : vector<16xi32>, vector<16xi1> -> vector<16xi32>
          %reduce_min3A_384 = arith.xori %reduce_min3A_383, %reduce_min3A_381 : vector<16xi32>
          %reduce_min3A_385 = vector.extract %reduce_min3A_384[15] : i32 from vector<16xi32>
          %shift_right_arithmetic3A = arith.constant 9 : i32
          %shift_right_arithmetic3A_386 = arith.shrsi %reduce_min3A_385, %shift_right_arithmetic3A : i32
          %and3A_387 = arith.constant 511 : i32
          %and3A_388 = arith.andi %reduce_min3A_385, %and3A_387 : i32
          "tpu.region"() ({
            %run_scoped3A = tpu.sem_alloc : memref<!tpu.dma_semaphore, #tpu.memory_space<semaphore_mem>>
            %dma_start3A_393 = arith.constant 0 : i32
            %dma_start3A_394 = tpu.memref_slice %arg12[%shift_right_arithmetic3A_386, %dma_start3A_393] : memref<8x2048xf32, #tpu.memory_space<vmem>> -> memref<1x2048xf32, #tpu.memory_space<vmem>>
            %dma_start3A_395 = arith.constant 0 : i32
            %dma_start3A_396 = tpu.memref_slice %arg4[%and3A_388, %dma_start3A_395] : memref<258x2048xf32, #tpu.memory_space<hbm>> -> memref<1x2048xf32, #tpu.memory_space<hbm>>
            %dma_start3A_397 = arith.constant 0 : i32
            %dma_start3A_398 = tpu.memref_slice %arg12[%shift_right_arithmetic3A_386, %dma_start3A_397] : memref<8x2048xf32, #tpu.memory_space<vmem>> -> memref<1x2048xf32, #tpu.memory_space<vmem>>
            %dma_start3A_399 = arith.constant 0 : i32
            %dma_start3A_400 = tpu.memref_slice %arg4[%and3A_388, %dma_start3A_399] : memref<258x2048xf32, #tpu.memory_space<hbm>> -> memref<1x2048xf32, #tpu.memory_space<hbm>>
            tpu.enqueue_dma source(%dma_start3A_400 : memref<1x2048xf32, #tpu.memory_space<hbm>>) target(%dma_start3A_398 : memref<1x2048xf32, #tpu.memory_space<vmem>>) target_semaphore(%run_scoped3A : memref<!tpu.dma_semaphore, #tpu.memory_space<semaphore_mem>>)
            %dma_wait3A_401 = arith.constant 0 : i32
            %dma_wait3A_402 = tpu.memref_slice %arg12[%shift_right_arithmetic3A_386, %dma_wait3A_401] : memref<8x2048xf32, #tpu.memory_space<vmem>> -> memref<1x2048xf32, #tpu.memory_space<vmem>>
            %dma_wait3A_403 = arith.constant 0 : i32
            %dma_wait3A_404 = tpu.memref_slice %arg4[%and3A_388, %dma_wait3A_403] : memref<258x2048xf32, #tpu.memory_space<hbm>> -> memref<1x2048xf32, #tpu.memory_space<hbm>>
            %dma_wait3A_405 = arith.constant 0 : i32
            %dma_wait3A_406 = tpu.memref_slice %arg12[%shift_right_arithmetic3A_386, %dma_wait3A_405] : memref<8x2048xf32, #tpu.memory_space<vmem>> -> memref<1x2048xf32, #tpu.memory_space<vmem>>
            %dma_wait3A_407 = arith.constant 0 : i32
            %dma_wait3A_408 = tpu.memref_slice %arg4[%and3A_388, %dma_wait3A_407] : memref<258x2048xf32, #tpu.memory_space<hbm>> -> memref<1x2048xf32, #tpu.memory_space<hbm>>
            tpu.wait_dma2 semaphore(%run_scoped3A : memref<!tpu.dma_semaphore, #tpu.memory_space<semaphore_mem>>) src(%dma_wait3A_408 : memref<1x2048xf32, #tpu.memory_space<hbm>>) dst(%dma_wait3A_406 : memref<1x2048xf32, #tpu.memory_space<vmem>>)
            tpu.yield
          }) : () -> ()
          %eq3A = vector.broadcast %shift_right_arithmetic3A_386 : i32 to vector<16xi32>
          %eq3A_389 = arith.cmpi eq, %iota3A, %eq3A : vector<16xi32>
          %jit3A_390 = arith.constant 0 : i32
          %broadcast_in_dim3A_391 = vector.broadcast %jit3A_390 : i32 to vector<16xi32>
          %select_n3A_392 = arith.select %eq3A_389, %broadcast_in_dim3A_391, %while3A_371 : vector<16xi1>, vector<16xi32>
          scf.yield %select_n3A_392 : vector<16xi32>
        }
      } else {
      }
      %mul3A_314 = arith.constant 8 : i32
      %mul3A_315 = arith.muli %add3A_286, %mul3A_314 : i32
      %add3A_316 = arith.addi %mul3A_2, %mul3A_315 : i32
      %dma_start3A_317 = arith.constant 0 : i32
      %dma_start3A_318 = tpu.memref_slice %arg5[%add3A_316, %dma_start3A_317] : memref<32768x2048xf32, #tpu.memory_space<hbm>> -> memref<8x2048xf32, #tpu.memory_space<hbm>>
      %dma_start3A_319 = arith.constant 0 : i32
      %dma_start3A_320 = tpu.memref_slice %arg5[%add3A_316, %dma_start3A_319] : memref<32768x2048xf32, #tpu.memory_space<hbm>> -> memref<8x2048xf32, #tpu.memory_space<hbm>>
      tpu.enqueue_dma source(%arg12 : memref<8x2048xf32, #tpu.memory_space<vmem>>) target(%dma_start3A_320 : memref<8x2048xf32, #tpu.memory_space<hbm>>) target_semaphore(%arg24 : memref<!tpu.dma_semaphore, #tpu.memory_space<semaphore_mem>>)
      %add3A_321 = arith.constant 4 : i32
      %add3A_322 = arith.addi %add3A_286, %add3A_321 : i32
      %lt3A_323 = arith.constant 128 : i32
      %lt3A_324 = arith.cmpi slt, %add3A_322, %lt3A_323 : i32
      %convert_element_type3A_325 = arith.extui %lt3A_324 : i1 to i32
      %cond3A_326 = arith.constant 0 : i32
      %cond3A_327 = arith.cmpi ne, %convert_element_type3A_325, %cond3A_326 : i32
      scf.if %cond3A_327 {
        %ge3A_371 = arith.constant 2 : i32
        %ge3A_372 = arith.cmpi sge, %add3A_286, %ge3A_371 : i32
        %convert_element_type3A_373 = arith.extui %ge3A_372 : i1 to i32
        %cond3A_374 = arith.constant 0 : i32
        %cond3A_375 = arith.cmpi ne, %convert_element_type3A_373, %cond3A_374 : i32
        scf.if %cond3A_375 {
          %dma_wait3A_384 = arith.constant 0 : i32
          %dma_wait3A_385 = tpu.memref_slice %arg5[%mul3A_2, %dma_wait3A_384] : memref<32768x2048xf32, #tpu.memory_space<hbm>> -> memref<8x2048xf32, #tpu.memory_space<hbm>>
          %dma_wait3A_386 = arith.constant 0 : i32
          %dma_wait3A_387 = tpu.memref_slice %arg5[%mul3A_2, %dma_wait3A_386] : memref<32768x2048xf32, #tpu.memory_space<hbm>> -> memref<8x2048xf32, #tpu.memory_space<hbm>>
          tpu.wait_dma2 semaphore(%arg22 : memref<!tpu.dma_semaphore, #tpu.memory_space<semaphore_mem>>) src(%arg10 : memref<8x2048xf32, #tpu.memory_space<vmem>>) dst(%dma_wait3A_387 : memref<8x2048xf32, #tpu.memory_space<hbm>>)
        } else {
        }
        %add3A_376 = arith.constant 4 : i32
        %add3A_377 = arith.addi %add3A_286, %add3A_376 : i32
        %mul3A_378 = arith.constant 8 : i32
        %mul3A_379 = arith.muli %add3A_377, %mul3A_378 : i32
        %dma_start3A_380 = tpu.memref_slice %arg7[%mul3A_379] : memref<1024xi32, #tpu.memory_space<vmem>> -> memref<8xi32, #tpu.memory_space<vmem>>
        %dma_start3A_381 = arith.constant 0 : i32
        %dma_start3A_382 = arith.constant 0 : i32
        %dma_start3A_383 = tpu.memref_slice %arg3[%dma_start3A_381, %dma_start3A_382] : memref<49152x2048xf32, #tpu.memory_space<hbm>> -> memref<49152x2048xf32, #tpu.memory_space<hbm>>
        tpu.enqueue_indirect_dma source(%dma_start3A_383 : memref<49152x2048xf32, #tpu.memory_space<hbm>>) target(%arg10 : memref<8x2048xf32, #tpu.memory_space<vmem>>) offsets(%dma_start3A_380 : memref<8xi32, #tpu.memory_space<vmem>>) semaphore(%arg16 : memref<!tpu.dma_semaphore, #tpu.memory_space<semaphore_mem>>)
      } else {
      }
      %add3A_328 = arith.constant 5 : i32
      %add3A_329 = arith.addi %mul3A_112, %add3A_328 : i32
      %dma_wait3A_330 = arith.constant 0 : i32
      %dma_wait3A_331 = arith.constant 0 : i32
      %dma_wait3A_332 = tpu.memref_slice %arg3[%dma_wait3A_330, %dma_wait3A_331] : memref<49152x2048xf32, #tpu.memory_space<hbm>> -> memref<8x2048xf32, #tpu.memory_space<hbm>>
      %dma_wait3A_333 = arith.constant 0 : i32
      %dma_wait3A_334 = arith.constant 0 : i32
      %dma_wait3A_335 = tpu.memref_slice %arg3[%dma_wait3A_333, %dma_wait3A_334] : memref<49152x2048xf32, #tpu.memory_space<hbm>> -> memref<8x2048xf32, #tpu.memory_space<hbm>>
      tpu.wait_dma2 semaphore(%arg19 : memref<!tpu.dma_semaphore, #tpu.memory_space<semaphore_mem>>) src(%dma_wait3A_335 : memref<8x2048xf32, #tpu.memory_space<hbm>>) dst(%arg13 : memref<8x2048xf32, #tpu.memory_space<vmem>>)
      %mul3A_336 = arith.constant 8 : i32
      %mul3A_337 = arith.muli %add3A_329, %mul3A_336 : i32
      %get3A_338 = arith.index_cast %mul3A_337 : i32 to index
      %get3A_339 = tpu.vector_load %arg6[%get3A_338] {strides = array<i32>} : memref<1040xi32, #tpu.memory_space<vmem>>, vector<16xi32>,
      %ge3A_340 = arith.constant 49152 : i32
      %ge3A_341 = vector.broadcast %ge3A_340 : i32 to vector<16xi32>
      %ge3A_342 = arith.cmpi sge, %get3A_339, %ge3A_341 : vector<16xi32>
      %lt3A_343 = arith.constant 8 : i32
      %lt3A_344 = vector.broadcast %lt3A_343 : i32 to vector<16xi32>
      %lt3A_345 = arith.cmpi slt, %iota3A, %lt3A_344 : vector<16xi32>
      %and3A_346 = arith.andi %ge3A_342, %lt3A_345 : vector<16xi1>
      %convert_element_type3A_347 = arith.extui %and3A_346 : vector<16xi1> to vector<16xi32>
      %reduce_sum3A_348 = arith.constant true
      %reduce_sum3A_349 = vector.broadcast %reduce_sum3A_348 : i1 to vector<16xi1>
      %reduce_sum3A_350 = tpu.scan <sum>, %convert_element_type3A_347 masked %reduce_sum3A_349 : vector<16xi32>, vector<16xi1> -> vector<16xi32>
      %reduce_sum3A_351 = vector.extract %reduce_sum3A_350[15] : i32 from vector<16xi32>
      %gt3A_352 = arith.constant 0 : i32
      %gt3A_353 = arith.cmpi sgt, %reduce_sum3A_351, %gt3A_352 : i32
      %convert_element_type3A_354 = arith.extui %gt3A_353 : i1 to i32
      %cond3A_355 = arith.constant 0 : i32
      %cond3A_356 = arith.cmpi ne, %convert_element_type3A_354, %cond3A_355 : i32
      scf.if %cond3A_356 {
        %while3A = scf.while (%while3A_371 = %convert_element_type3A_347) : (vector<16xi32>) -> vector<16xi32> {
          %reduce_sum3A_372 = arith.constant true
          %reduce_sum3A_373 = vector.broadcast %reduce_sum3A_372 : i1 to vector<16xi1>
          %reduce_sum3A_374 = tpu.scan <sum>, %while3A_371 masked %reduce_sum3A_373 : vector<16xi32>, vector<16xi1> -> vector<16xi32>
          %reduce_sum3A_375 = vector.extract %reduce_sum3A_374[15] : i32 from vector<16xi32>
          %gt3A_376 = arith.constant 0 : i32
          %gt3A_377 = arith.cmpi sgt, %reduce_sum3A_375, %gt3A_376 : i32
          scf.condition(%gt3A_377) %while3A_371 : vector<16xi32>
        } do {
        ^bb0(%while3A_371: vector<16xi32>):
          %gt3A_372 = arith.constant 0 : i32
          %gt3A_373 = vector.broadcast %gt3A_372 : i32 to vector<16xi32>
          %gt3A_374 = arith.cmpi sgt, %while3A_371, %gt3A_373 : vector<16xi32>
          %shift_left3A = arith.constant 9 : i32
          %shift_left3A_375 = vector.broadcast %shift_left3A : i32 to vector<16xi32>
          %shift_left3A_376 = arith.shli %iota3A, %shift_left3A_375 : vector<16xi32>
          %sub3A = arith.constant 49152 : i32
          %sub3A_377 = vector.broadcast %sub3A : i32 to vector<16xi32>
          %sub3A_378 = arith.subi %get3A_339, %sub3A_377 : vector<16xi32>
          %or3A = arith.ori %shift_left3A_376, %sub3A_378 : vector<16xi32>
          %jit3A = arith.constant 1073741824 : i32
          %broadcast_in_dim3A = vector.broadcast %jit3A : i32 to vector<16xi32>
          %select_n3A = arith.select %gt3A_374, %or3A, %broadcast_in_dim3A : vector<16xi1>, vector<16xi32>
          %reduce_min3A = arith.constant true
          %reduce_min3A_379 = vector.broadcast %reduce_min3A : i1 to vector<16xi1>
          %reduce_min3A_380 = arith.constant -2147483648 : i32
          %reduce_min3A_381 = vector.broadcast %reduce_min3A_380 : i32 to vector<16xi32>
          %reduce_min3A_382 = arith.xori %select_n3A, %reduce_min3A_381 : vector<16xi32>
          %reduce_min3A_383 = tpu.scan <min>, %reduce_min3A_382 masked %reduce_min3A_379 : vector<16xi32>, vector<16xi1> -> vector<16xi32>
          %reduce_min3A_384 = arith.xori %reduce_min3A_383, %reduce_min3A_381 : vector<16xi32>
          %reduce_min3A_385 = vector.extract %reduce_min3A_384[15] : i32 from vector<16xi32>
          %shift_right_arithmetic3A = arith.constant 9 : i32
          %shift_right_arithmetic3A_386 = arith.shrsi %reduce_min3A_385, %shift_right_arithmetic3A : i32
          %and3A_387 = arith.constant 511 : i32
          %and3A_388 = arith.andi %reduce_min3A_385, %and3A_387 : i32
          "tpu.region"() ({
            %run_scoped3A = tpu.sem_alloc : memref<!tpu.dma_semaphore, #tpu.memory_space<semaphore_mem>>
            %dma_start3A_393 = arith.constant 0 : i32
            %dma_start3A_394 = tpu.memref_slice %arg13[%shift_right_arithmetic3A_386, %dma_start3A_393] : memref<8x2048xf32, #tpu.memory_space<vmem>> -> memref<1x2048xf32, #tpu.memory_space<vmem>>
            %dma_start3A_395 = arith.constant 0 : i32
            %dma_start3A_396 = tpu.memref_slice %arg4[%and3A_388, %dma_start3A_395] : memref<258x2048xf32, #tpu.memory_space<hbm>> -> memref<1x2048xf32, #tpu.memory_space<hbm>>
            %dma_start3A_397 = arith.constant 0 : i32
            %dma_start3A_398 = tpu.memref_slice %arg13[%shift_right_arithmetic3A_386, %dma_start3A_397] : memref<8x2048xf32, #tpu.memory_space<vmem>> -> memref<1x2048xf32, #tpu.memory_space<vmem>>
            %dma_start3A_399 = arith.constant 0 : i32
            %dma_start3A_400 = tpu.memref_slice %arg4[%and3A_388, %dma_start3A_399] : memref<258x2048xf32, #tpu.memory_space<hbm>> -> memref<1x2048xf32, #tpu.memory_space<hbm>>
            tpu.enqueue_dma source(%dma_start3A_400 : memref<1x2048xf32, #tpu.memory_space<hbm>>) target(%dma_start3A_398 : memref<1x2048xf32, #tpu.memory_space<vmem>>) target_semaphore(%run_scoped3A : memref<!tpu.dma_semaphore, #tpu.memory_space<semaphore_mem>>)
            %dma_wait3A_401 = arith.constant 0 : i32
            %dma_wait3A_402 = tpu.memref_slice %arg13[%shift_right_arithmetic3A_386, %dma_wait3A_401] : memref<8x2048xf32, #tpu.memory_space<vmem>> -> memref<1x2048xf32, #tpu.memory_space<vmem>>
            %dma_wait3A_403 = arith.constant 0 : i32
            %dma_wait3A_404 = tpu.memref_slice %arg4[%and3A_388, %dma_wait3A_403] : memref<258x2048xf32, #tpu.memory_space<hbm>> -> memref<1x2048xf32, #tpu.memory_space<hbm>>
            %dma_wait3A_405 = arith.constant 0 : i32
            %dma_wait3A_406 = tpu.memref_slice %arg13[%shift_right_arithmetic3A_386, %dma_wait3A_405] : memref<8x2048xf32, #tpu.memory_space<vmem>> -> memref<1x2048xf32, #tpu.memory_space<vmem>>
            %dma_wait3A_407 = arith.constant 0 : i32
            %dma_wait3A_408 = tpu.memref_slice %arg4[%and3A_388, %dma_wait3A_407] : memref<258x2048xf32, #tpu.memory_space<hbm>> -> memref<1x2048xf32, #tpu.memory_space<hbm>>
            tpu.wait_dma2 semaphore(%run_scoped3A : memref<!tpu.dma_semaphore, #tpu.memory_space<semaphore_mem>>) src(%dma_wait3A_408 : memref<1x2048xf32, #tpu.memory_space<hbm>>) dst(%dma_wait3A_406 : memref<1x2048xf32, #tpu.memory_space<vmem>>)
            tpu.yield
          }) : () -> ()
          %eq3A = vector.broadcast %shift_right_arithmetic3A_386 : i32 to vector<16xi32>
          %eq3A_389 = arith.cmpi eq, %iota3A, %eq3A : vector<16xi32>
          %jit3A_390 = arith.constant 0 : i32
          %broadcast_in_dim3A_391 = vector.broadcast %jit3A_390 : i32 to vector<16xi32>
          %select_n3A_392 = arith.select %eq3A_389, %broadcast_in_dim3A_391, %while3A_371 : vector<16xi1>, vector<16xi32>
          scf.yield %select_n3A_392 : vector<16xi32>
        }
      } else {
      }
      %mul3A_357 = arith.constant 8 : i32
      %mul3A_358 = arith.muli %add3A_329, %mul3A_357 : i32
      %add3A_359 = arith.addi %mul3A_2, %mul3A_358 : i32
      %dma_start3A_360 = arith.constant 0 : i32
      %dma_start3A_361 = tpu.memref_slice %arg5[%add3A_359, %dma_start3A_360] : memref<32768x2048xf32, #tpu.memory_space<hbm>> -> memref<8x2048xf32, #tpu.memory_space<hbm>>
      %dma_start3A_362 = arith.constant 0 : i32
      %dma_start3A_363 = tpu.memref_slice %arg5[%add3A_359, %dma_start3A_362] : memref<32768x2048xf32, #tpu.memory_space<hbm>> -> memref<8x2048xf32, #tpu.memory_space<hbm>>
      tpu.enqueue_dma source(%arg13 : memref<8x2048xf32, #tpu.memory_space<vmem>>) target(%dma_start3A_363 : memref<8x2048xf32, #tpu.memory_space<hbm>>) target_semaphore(%arg25 : memref<!tpu.dma_semaphore, #tpu.memory_space<semaphore_mem>>)
      %add3A_364 = arith.constant 4 : i32
      %add3A_365 = arith.addi %add3A_329, %add3A_364 : i32
      %lt3A_366 = arith.constant 128 : i32
      %lt3A_367 = arith.cmpi slt, %add3A_365, %lt3A_366 : i32
      %convert_element_type3A_368 = arith.extui %lt3A_367 : i1 to i32
      %cond3A_369 = arith.constant 0 : i32
      %cond3A_370 = arith.cmpi ne, %convert_element_type3A_368, %cond3A_369 : i32
      scf.if %cond3A_370 {
        %ge3A_371 = arith.constant 2 : i32
        %ge3A_372 = arith.cmpi sge, %add3A_329, %ge3A_371 : i32
        %convert_element_type3A_373 = arith.extui %ge3A_372 : i1 to i32
        %cond3A_374 = arith.constant 0 : i32
        %cond3A_375 = arith.cmpi ne, %convert_element_type3A_373, %cond3A_374 : i32
        scf.if %cond3A_375 {
          %dma_wait3A_384 = arith.constant 0 : i32
          %dma_wait3A_385 = tpu.memref_slice %arg5[%mul3A_2, %dma_wait3A_384] : memref<32768x2048xf32, #tpu.memory_space<hbm>> -> memref<8x2048xf32, #tpu.memory_space<hbm>>
          %dma_wait3A_386 = arith.constant 0 : i32
          %dma_wait3A_387 = tpu.memref_slice %arg5[%mul3A_2, %dma_wait3A_386] : memref<32768x2048xf32, #tpu.memory_space<hbm>> -> memref<8x2048xf32, #tpu.memory_space<hbm>>
          tpu.wait_dma2 semaphore(%arg23 : memref<!tpu.dma_semaphore, #tpu.memory_space<semaphore_mem>>) src(%arg11 : memref<8x2048xf32, #tpu.memory_space<vmem>>) dst(%dma_wait3A_387 : memref<8x2048xf32, #tpu.memory_space<hbm>>)
        } else {
        }
        %add3A_376 = arith.constant 4 : i32
        %add3A_377 = arith.addi %add3A_329, %add3A_376 : i32
        %mul3A_378 = arith.constant 8 : i32
        %mul3A_379 = arith.muli %add3A_377, %mul3A_378 : i32
        %dma_start3A_380 = tpu.memref_slice %arg7[%mul3A_379] : memref<1024xi32, #tpu.memory_space<vmem>> -> memref<8xi32, #tpu.memory_space<vmem>>
        %dma_start3A_381 = arith.constant 0 : i32
        %dma_start3A_382 = arith.constant 0 : i32
        %dma_start3A_383 = tpu.memref_slice %arg3[%dma_start3A_381, %dma_start3A_382] : memref<49152x2048xf32, #tpu.memory_space<hbm>> -> memref<49152x2048xf32, #tpu.memory_space<hbm>>
        tpu.enqueue_indirect_dma source(%dma_start3A_383 : memref<49152x2048xf32, #tpu.memory_space<hbm>>) target(%arg11 : memref<8x2048xf32, #tpu.memory_space<vmem>>) offsets(%dma_start3A_380 : memref<8xi32, #tpu.memory_space<vmem>>) semaphore(%arg17 : memref<!tpu.dma_semaphore, #tpu.memory_space<semaphore_mem>>)
      } else {
      }
    }
    %scan3A_32 = arith.constant 21 : i32
    %dma_wait3A = arith.constant 0 : i32
    %dma_wait3A_33 = arith.constant 0 : i32
    %dma_wait3A_34 = tpu.memref_slice %arg3[%dma_wait3A, %dma_wait3A_33] : memref<49152x2048xf32, #tpu.memory_space<hbm>> -> memref<8x2048xf32, #tpu.memory_space<hbm>>
    %dma_wait3A_35 = arith.constant 0 : i32
    %dma_wait3A_36 = arith.constant 0 : i32
    %dma_wait3A_37 = tpu.memref_slice %arg3[%dma_wait3A_35, %dma_wait3A_36] : memref<49152x2048xf32, #tpu.memory_space<hbm>> -> memref<8x2048xf32, #tpu.memory_space<hbm>>
    tpu.wait_dma2 semaphore(%arg14 : memref<!tpu.dma_semaphore, #tpu.memory_space<semaphore_mem>>) src(%dma_wait3A_37 : memref<8x2048xf32, #tpu.memory_space<hbm>>) dst(%arg8 : memref<8x2048xf32, #tpu.memory_space<vmem>>)
    %get3A = arith.constant 1008 : index
    %get3A_38 = tpu.vector_load %arg6[%get3A] {strides = array<i32>} : memref<1040xi32, #tpu.memory_space<vmem>>, vector<16xi32>,
    %ge3A = arith.constant 49152 : i32
    %ge3A_39 = vector.broadcast %ge3A : i32 to vector<16xi32>
    %ge3A_40 = arith.cmpi sge, %get3A_38, %ge3A_39 : vector<16xi32>
    %lt3A = arith.constant 8 : i32
    %lt3A_41 = vector.broadcast %lt3A : i32 to vector<16xi32>
    %lt3A_42 = arith.cmpi slt, %iota3A, %lt3A_41 : vector<16xi32>
    %and3A = arith.andi %ge3A_40, %lt3A_42 : vector<16xi1>
    %convert_element_type3A = arith.extui %and3A : vector<16xi1> to vector<16xi32>
    %reduce_sum3A = arith.constant true
    %reduce_sum3A_43 = vector.broadcast %reduce_sum3A : i1 to vector<16xi1>
    %reduce_sum3A_44 = tpu.scan <sum>, %convert_element_type3A masked %reduce_sum3A_43 : vector<16xi32>, vector<16xi1> -> vector<16xi32>
    %reduce_sum3A_45 = vector.extract %reduce_sum3A_44[15] : i32 from vector<16xi32>
    %gt3A = arith.constant 0 : i32
    %gt3A_46 = arith.cmpi sgt, %reduce_sum3A_45, %gt3A : i32
    %convert_element_type3A_47 = arith.extui %gt3A_46 : i1 to i32
    %cond3A = arith.constant 0 : i32
    %cond3A_48 = arith.cmpi ne, %convert_element_type3A_47, %cond3A : i32
    scf.if %cond3A_48 {
      %while3A = scf.while (%while3A_110 = %convert_element_type3A) : (vector<16xi32>) -> vector<16xi32> {
        %reduce_sum3A_111 = arith.constant true
        %reduce_sum3A_112 = vector.broadcast %reduce_sum3A_111 : i1 to vector<16xi1>
        %reduce_sum3A_113 = tpu.scan <sum>, %while3A_110 masked %reduce_sum3A_112 : vector<16xi32>, vector<16xi1> -> vector<16xi32>
        %reduce_sum3A_114 = vector.extract %reduce_sum3A_113[15] : i32 from vector<16xi32>
        %gt3A_115 = arith.constant 0 : i32
        %gt3A_116 = arith.cmpi sgt, %reduce_sum3A_114, %gt3A_115 : i32
        scf.condition(%gt3A_116) %while3A_110 : vector<16xi32>
      } do {
      ^bb0(%while3A_110: vector<16xi32>):
        %gt3A_111 = arith.constant 0 : i32
        %gt3A_112 = vector.broadcast %gt3A_111 : i32 to vector<16xi32>
        %gt3A_113 = arith.cmpi sgt, %while3A_110, %gt3A_112 : vector<16xi32>
        %shift_left3A = arith.constant 9 : i32
        %shift_left3A_114 = vector.broadcast %shift_left3A : i32 to vector<16xi32>
        %shift_left3A_115 = arith.shli %iota3A, %shift_left3A_114 : vector<16xi32>
        %sub3A = arith.constant 49152 : i32
        %sub3A_116 = vector.broadcast %sub3A : i32 to vector<16xi32>
        %sub3A_117 = arith.subi %get3A_38, %sub3A_116 : vector<16xi32>
        %or3A = arith.ori %shift_left3A_115, %sub3A_117 : vector<16xi32>
        %jit3A = arith.constant 1073741824 : i32
        %broadcast_in_dim3A = vector.broadcast %jit3A : i32 to vector<16xi32>
        %select_n3A = arith.select %gt3A_113, %or3A, %broadcast_in_dim3A : vector<16xi1>, vector<16xi32>
        %reduce_min3A = arith.constant true
        %reduce_min3A_118 = vector.broadcast %reduce_min3A : i1 to vector<16xi1>
        %reduce_min3A_119 = arith.constant -2147483648 : i32
        %reduce_min3A_120 = vector.broadcast %reduce_min3A_119 : i32 to vector<16xi32>
        %reduce_min3A_121 = arith.xori %select_n3A, %reduce_min3A_120 : vector<16xi32>
        %reduce_min3A_122 = tpu.scan <min>, %reduce_min3A_121 masked %reduce_min3A_118 : vector<16xi32>, vector<16xi1> -> vector<16xi32>
        %reduce_min3A_123 = arith.xori %reduce_min3A_122, %reduce_min3A_120 : vector<16xi32>
        %reduce_min3A_124 = vector.extract %reduce_min3A_123[15] : i32 from vector<16xi32>
        %shift_right_arithmetic3A = arith.constant 9 : i32
        %shift_right_arithmetic3A_125 = arith.shrsi %reduce_min3A_124, %shift_right_arithmetic3A : i32
        %and3A_126 = arith.constant 511 : i32
        %and3A_127 = arith.andi %reduce_min3A_124, %and3A_126 : i32
        "tpu.region"() ({
          %run_scoped3A = tpu.sem_alloc : memref<!tpu.dma_semaphore, #tpu.memory_space<semaphore_mem>>
          %dma_start3A_132 = arith.constant 0 : i32
          %dma_start3A_133 = tpu.memref_slice %arg8[%shift_right_arithmetic3A_125, %dma_start3A_132] : memref<8x2048xf32, #tpu.memory_space<vmem>> -> memref<1x2048xf32, #tpu.memory_space<vmem>>
          %dma_start3A_134 = arith.constant 0 : i32
          %dma_start3A_135 = tpu.memref_slice %arg4[%and3A_127, %dma_start3A_134] : memref<258x2048xf32, #tpu.memory_space<hbm>> -> memref<1x2048xf32, #tpu.memory_space<hbm>>
          %dma_start3A_136 = arith.constant 0 : i32
          %dma_start3A_137 = tpu.memref_slice %arg8[%shift_right_arithmetic3A_125, %dma_start3A_136] : memref<8x2048xf32, #tpu.memory_space<vmem>> -> memref<1x2048xf32, #tpu.memory_space<vmem>>
          %dma_start3A_138 = arith.constant 0 : i32
          %dma_start3A_139 = tpu.memref_slice %arg4[%and3A_127, %dma_start3A_138] : memref<258x2048xf32, #tpu.memory_space<hbm>> -> memref<1x2048xf32, #tpu.memory_space<hbm>>
          tpu.enqueue_dma source(%dma_start3A_139 : memref<1x2048xf32, #tpu.memory_space<hbm>>) target(%dma_start3A_137 : memref<1x2048xf32, #tpu.memory_space<vmem>>) target_semaphore(%run_scoped3A : memref<!tpu.dma_semaphore, #tpu.memory_space<semaphore_mem>>)
          %dma_wait3A_140 = arith.constant 0 : i32
          %dma_wait3A_141 = tpu.memref_slice %arg8[%shift_right_arithmetic3A_125, %dma_wait3A_140] : memref<8x2048xf32, #tpu.memory_space<vmem>> -> memref<1x2048xf32, #tpu.memory_space<vmem>>
          %dma_wait3A_142 = arith.constant 0 : i32
          %dma_wait3A_143 = tpu.memref_slice %arg4[%and3A_127, %dma_wait3A_142] : memref<258x2048xf32, #tpu.memory_space<hbm>> -> memref<1x2048xf32, #tpu.memory_space<hbm>>
          %dma_wait3A_144 = arith.constant 0 : i32
          %dma_wait3A_145 = tpu.memref_slice %arg8[%shift_right_arithmetic3A_125, %dma_wait3A_144] : memref<8x2048xf32, #tpu.memory_space<vmem>> -> memref<1x2048xf32, #tpu.memory_space<vmem>>
          %dma_wait3A_146 = arith.constant 0 : i32
          %dma_wait3A_147 = tpu.memref_slice %arg4[%and3A_127, %dma_wait3A_146] : memref<258x2048xf32, #tpu.memory_space<hbm>> -> memref<1x2048xf32, #tpu.memory_space<hbm>>
          tpu.wait_dma2 semaphore(%run_scoped3A : memref<!tpu.dma_semaphore, #tpu.memory_space<semaphore_mem>>) src(%dma_wait3A_147 : memref<1x2048xf32, #tpu.memory_space<hbm>>) dst(%dma_wait3A_145 : memref<1x2048xf32, #tpu.memory_space<vmem>>)
          tpu.yield
        }) : () -> ()
        %eq3A = vector.broadcast %shift_right_arithmetic3A_125 : i32 to vector<16xi32>
        %eq3A_128 = arith.cmpi eq, %iota3A, %eq3A : vector<16xi32>
        %jit3A_129 = arith.constant 0 : i32
        %broadcast_in_dim3A_130 = vector.broadcast %jit3A_129 : i32 to vector<16xi32>
        %select_n3A_131 = arith.select %eq3A_128, %broadcast_in_dim3A_130, %while3A_110 : vector<16xi1>, vector<16xi32>
        scf.yield %select_n3A_131 : vector<16xi32>
      }
    } else {
    }
    %add3A_49 = arith.constant 1008 : i32
    %add3A_50 = arith.addi %mul3A_2, %add3A_49 : i32
    %dma_start3A_51 = arith.constant 0 : i32
    %dma_start3A_52 = tpu.memref_slice %arg5[%add3A_50, %dma_start3A_51] : memref<32768x2048xf32, #tpu.memory_space<hbm>> -> memref<8x2048xf32, #tpu.memory_space<hbm>>
    %dma_start3A_53 = arith.constant 0 : i32
    %dma_start3A_54 = tpu.memref_slice %arg5[%add3A_50, %dma_start3A_53] : memref<32768x2048xf32, #tpu.memory_space<hbm>> -> memref<8x2048xf32, #tpu.memory_space<hbm>>
    tpu.enqueue_dma source(%arg8 : memref<8x2048xf32, #tpu.memory_space<vmem>>) target(%dma_start3A_54 : memref<8x2048xf32, #tpu.memory_space<hbm>>) target_semaphore(%arg20 : memref<!tpu.dma_semaphore, #tpu.memory_space<semaphore_mem>>)
    %dma_wait3A_55 = arith.constant 0 : i32
    %dma_wait3A_56 = arith.constant 0 : i32
    %dma_wait3A_57 = tpu.memref_slice %arg3[%dma_wait3A_55, %dma_wait3A_56] : memref<49152x2048xf32, #tpu.memory_space<hbm>> -> memref<8x2048xf32, #tpu.memory_space<hbm>>
    %dma_wait3A_58 = arith.constant 0 : i32
    %dma_wait3A_59 = arith.constant 0 : i32
    %dma_wait3A_60 = tpu.memref_slice %arg3[%dma_wait3A_58, %dma_wait3A_59] : memref<49152x2048xf32, #tpu.memory_space<hbm>> -> memref<8x2048xf32, #tpu.memory_space<hbm>>
    tpu.wait_dma2 semaphore(%arg15 : memref<!tpu.dma_semaphore, #tpu.memory_space<semaphore_mem>>) src(%dma_wait3A_60 : memref<8x2048xf32, #tpu.memory_space<hbm>>) dst(%arg9 : memref<8x2048xf32, #tpu.memory_space<vmem>>)
    %get3A_61 = arith.constant 1016 : index
    %get3A_62 = tpu.vector_load %arg6[%get3A_61] {strides = array<i32>} : memref<1040xi32, #tpu.memory_space<vmem>>, vector<16xi32>,
    %ge3A_63 = arith.constant 49152 : i32
    %ge3A_64 = vector.broadcast %ge3A_63 : i32 to vector<16xi32>
    %ge3A_65 = arith.cmpi sge, %get3A_62, %ge3A_64 : vector<16xi32>
    %lt3A_66 = arith.constant 8 : i32
    %lt3A_67 = vector.broadcast %lt3A_66 : i32 to vector<16xi32>
    %lt3A_68 = arith.cmpi slt, %iota3A, %lt3A_67 : vector<16xi32>
    %and3A_69 = arith.andi %ge3A_65, %lt3A_68 : vector<16xi1>
    %convert_element_type3A_70 = arith.extui %and3A_69 : vector<16xi1> to vector<16xi32>
    %reduce_sum3A_71 = arith.constant true
    %reduce_sum3A_72 = vector.broadcast %reduce_sum3A_71 : i1 to vector<16xi1>
    %reduce_sum3A_73 = tpu.scan <sum>, %convert_element_type3A_70 masked %reduce_sum3A_72 : vector<16xi32>, vector<16xi1> -> vector<16xi32>
    %reduce_sum3A_74 = vector.extract %reduce_sum3A_73[15] : i32 from vector<16xi32>
    %gt3A_75 = arith.constant 0 : i32
    %gt3A_76 = arith.cmpi sgt, %reduce_sum3A_74, %gt3A_75 : i32
    %convert_element_type3A_77 = arith.extui %gt3A_76 : i1 to i32
    %cond3A_78 = arith.constant 0 : i32
    %cond3A_79 = arith.cmpi ne, %convert_element_type3A_77, %cond3A_78 : i32
    scf.if %cond3A_79 {
      %while3A = scf.while (%while3A_110 = %convert_element_type3A_70) : (vector<16xi32>) -> vector<16xi32> {
        %reduce_sum3A_111 = arith.constant true
        %reduce_sum3A_112 = vector.broadcast %reduce_sum3A_111 : i1 to vector<16xi1>
        %reduce_sum3A_113 = tpu.scan <sum>, %while3A_110 masked %reduce_sum3A_112 : vector<16xi32>, vector<16xi1> -> vector<16xi32>
        %reduce_sum3A_114 = vector.extract %reduce_sum3A_113[15] : i32 from vector<16xi32>
        %gt3A_115 = arith.constant 0 : i32
        %gt3A_116 = arith.cmpi sgt, %reduce_sum3A_114, %gt3A_115 : i32
        scf.condition(%gt3A_116) %while3A_110 : vector<16xi32>
      } do {
      ^bb0(%while3A_110: vector<16xi32>):
        %gt3A_111 = arith.constant 0 : i32
        %gt3A_112 = vector.broadcast %gt3A_111 : i32 to vector<16xi32>
        %gt3A_113 = arith.cmpi sgt, %while3A_110, %gt3A_112 : vector<16xi32>
        %shift_left3A = arith.constant 9 : i32
        %shift_left3A_114 = vector.broadcast %shift_left3A : i32 to vector<16xi32>
        %shift_left3A_115 = arith.shli %iota3A, %shift_left3A_114 : vector<16xi32>
        %sub3A = arith.constant 49152 : i32
        %sub3A_116 = vector.broadcast %sub3A : i32 to vector<16xi32>
        %sub3A_117 = arith.subi %get3A_62, %sub3A_116 : vector<16xi32>
        %or3A = arith.ori %shift_left3A_115, %sub3A_117 : vector<16xi32>
        %jit3A = arith.constant 1073741824 : i32
        %broadcast_in_dim3A = vector.broadcast %jit3A : i32 to vector<16xi32>
        %select_n3A = arith.select %gt3A_113, %or3A, %broadcast_in_dim3A : vector<16xi1>, vector<16xi32>
        %reduce_min3A = arith.constant true
        %reduce_min3A_118 = vector.broadcast %reduce_min3A : i1 to vector<16xi1>
        %reduce_min3A_119 = arith.constant -2147483648 : i32
        %reduce_min3A_120 = vector.broadcast %reduce_min3A_119 : i32 to vector<16xi32>
        %reduce_min3A_121 = arith.xori %select_n3A, %reduce_min3A_120 : vector<16xi32>
        %reduce_min3A_122 = tpu.scan <min>, %reduce_min3A_121 masked %reduce_min3A_118 : vector<16xi32>, vector<16xi1> -> vector<16xi32>
        %reduce_min3A_123 = arith.xori %reduce_min3A_122, %reduce_min3A_120 : vector<16xi32>
        %reduce_min3A_124 = vector.extract %reduce_min3A_123[15] : i32 from vector<16xi32>
        %shift_right_arithmetic3A = arith.constant 9 : i32
        %shift_right_arithmetic3A_125 = arith.shrsi %reduce_min3A_124, %shift_right_arithmetic3A : i32
        %and3A_126 = arith.constant 511 : i32
        %and3A_127 = arith.andi %reduce_min3A_124, %and3A_126 : i32
        "tpu.region"() ({
          %run_scoped3A = tpu.sem_alloc : memref<!tpu.dma_semaphore, #tpu.memory_space<semaphore_mem>>
          %dma_start3A_132 = arith.constant 0 : i32
          %dma_start3A_133 = tpu.memref_slice %arg9[%shift_right_arithmetic3A_125, %dma_start3A_132] : memref<8x2048xf32, #tpu.memory_space<vmem>> -> memref<1x2048xf32, #tpu.memory_space<vmem>>
          %dma_start3A_134 = arith.constant 0 : i32
          %dma_start3A_135 = tpu.memref_slice %arg4[%and3A_127, %dma_start3A_134] : memref<258x2048xf32, #tpu.memory_space<hbm>> -> memref<1x2048xf32, #tpu.memory_space<hbm>>
          %dma_start3A_136 = arith.constant 0 : i32
          %dma_start3A_137 = tpu.memref_slice %arg9[%shift_right_arithmetic3A_125, %dma_start3A_136] : memref<8x2048xf32, #tpu.memory_space<vmem>> -> memref<1x2048xf32, #tpu.memory_space<vmem>>
          %dma_start3A_138 = arith.constant 0 : i32
          %dma_start3A_139 = tpu.memref_slice %arg4[%and3A_127, %dma_start3A_138] : memref<258x2048xf32, #tpu.memory_space<hbm>> -> memref<1x2048xf32, #tpu.memory_space<hbm>>
          tpu.enqueue_dma source(%dma_start3A_139 : memref<1x2048xf32, #tpu.memory_space<hbm>>) target(%dma_start3A_137 : memref<1x2048xf32, #tpu.memory_space<vmem>>) target_semaphore(%run_scoped3A : memref<!tpu.dma_semaphore, #tpu.memory_space<semaphore_mem>>)
          %dma_wait3A_140 = arith.constant 0 : i32
          %dma_wait3A_141 = tpu.memref_slice %arg9[%shift_right_arithmetic3A_125, %dma_wait3A_140] : memref<8x2048xf32, #tpu.memory_space<vmem>> -> memref<1x2048xf32, #tpu.memory_space<vmem>>
          %dma_wait3A_142 = arith.constant 0 : i32
          %dma_wait3A_143 = tpu.memref_slice %arg4[%and3A_127, %dma_wait3A_142] : memref<258x2048xf32, #tpu.memory_space<hbm>> -> memref<1x2048xf32, #tpu.memory_space<hbm>>
          %dma_wait3A_144 = arith.constant 0 : i32
          %dma_wait3A_145 = tpu.memref_slice %arg9[%shift_right_arithmetic3A_125, %dma_wait3A_144] : memref<8x2048xf32, #tpu.memory_space<vmem>> -> memref<1x2048xf32, #tpu.memory_space<vmem>>
          %dma_wait3A_146 = arith.constant 0 : i32
          %dma_wait3A_147 = tpu.memref_slice %arg4[%and3A_127, %dma_wait3A_146] : memref<258x2048xf32, #tpu.memory_space<hbm>> -> memref<1x2048xf32, #tpu.memory_space<hbm>>
          tpu.wait_dma2 semaphore(%run_scoped3A : memref<!tpu.dma_semaphore, #tpu.memory_space<semaphore_mem>>) src(%dma_wait3A_147 : memref<1x2048xf32, #tpu.memory_space<hbm>>) dst(%dma_wait3A_145 : memref<1x2048xf32, #tpu.memory_space<vmem>>)
          tpu.yield
        }) : () -> ()
        %eq3A = vector.broadcast %shift_right_arithmetic3A_125 : i32 to vector<16xi32>
        %eq3A_128 = arith.cmpi eq, %iota3A, %eq3A : vector<16xi32>
        %jit3A_129 = arith.constant 0 : i32
        %broadcast_in_dim3A_130 = vector.broadcast %jit3A_129 : i32 to vector<16xi32>
        %select_n3A_131 = arith.select %eq3A_128, %broadcast_in_dim3A_130, %while3A_110 : vector<16xi1>, vector<16xi32>
        scf.yield %select_n3A_131 : vector<16xi32>
      }
    } else {
    }
    %add3A_80 = arith.constant 1016 : i32
    %add3A_81 = arith.addi %mul3A_2, %add3A_80 : i32
    %dma_start3A_82 = arith.constant 0 : i32
    %dma_start3A_83 = tpu.memref_slice %arg5[%add3A_81, %dma_start3A_82] : memref<32768x2048xf32, #tpu.memory_space<hbm>> -> memref<8x2048xf32, #tpu.memory_space<hbm>>
    %dma_start3A_84 = arith.constant 0 : i32
    %dma_start3A_85 = tpu.memref_slice %arg5[%add3A_81, %dma_start3A_84] : memref<32768x2048xf32, #tpu.memory_space<hbm>> -> memref<8x2048xf32, #tpu.memory_space<hbm>>
    tpu.enqueue_dma source(%arg9 : memref<8x2048xf32, #tpu.memory_space<vmem>>) target(%dma_start3A_85 : memref<8x2048xf32, #tpu.memory_space<hbm>>) target_semaphore(%arg21 : memref<!tpu.dma_semaphore, #tpu.memory_space<semaphore_mem>>)
    %dma_wait3A_86 = arith.constant 0 : i32
    %dma_wait3A_87 = tpu.memref_slice %arg5[%mul3A_2, %dma_wait3A_86] : memref<32768x2048xf32, #tpu.memory_space<hbm>> -> memref<8x2048xf32, #tpu.memory_space<hbm>>
    %dma_wait3A_88 = arith.constant 0 : i32
    %dma_wait3A_89 = tpu.memref_slice %arg5[%mul3A_2, %dma_wait3A_88] : memref<32768x2048xf32, #tpu.memory_space<hbm>> -> memref<8x2048xf32, #tpu.memory_space<hbm>>
    tpu.wait_dma2 semaphore(%arg20 : memref<!tpu.dma_semaphore, #tpu.memory_space<semaphore_mem>>) src(%arg8 : memref<8x2048xf32, #tpu.memory_space<vmem>>) dst(%dma_wait3A_89 : memref<8x2048xf32, #tpu.memory_space<hbm>>)
    %dma_wait3A_90 = arith.constant 0 : i32
    %dma_wait3A_91 = tpu.memref_slice %arg5[%mul3A_2, %dma_wait3A_90] : memref<32768x2048xf32, #tpu.memory_space<hbm>> -> memref<8x2048xf32, #tpu.memory_space<hbm>>
    %dma_wait3A_92 = arith.constant 0 : i32
    %dma_wait3A_93 = tpu.memref_slice %arg5[%mul3A_2, %dma_wait3A_92] : memref<32768x2048xf32, #tpu.memory_space<hbm>> -> memref<8x2048xf32, #tpu.memory_space<hbm>>
    tpu.wait_dma2 semaphore(%arg21 : memref<!tpu.dma_semaphore, #tpu.memory_space<semaphore_mem>>) src(%arg9 : memref<8x2048xf32, #tpu.memory_space<vmem>>) dst(%dma_wait3A_93 : memref<8x2048xf32, #tpu.memory_space<hbm>>)
    %dma_wait3A_94 = arith.constant 0 : i32
    %dma_wait3A_95 = tpu.memref_slice %arg5[%mul3A_2, %dma_wait3A_94] : memref<32768x2048xf32, #tpu.memory_space<hbm>> -> memref<8x2048xf32, #tpu.memory_space<hbm>>
    %dma_wait3A_96 = arith.constant 0 : i32
    %dma_wait3A_97 = tpu.memref_slice %arg5[%mul3A_2, %dma_wait3A_96] : memref<32768x2048xf32, #tpu.memory_space<hbm>> -> memref<8x2048xf32, #tpu.memory_space<hbm>>
    tpu.wait_dma2 semaphore(%arg22 : memref<!tpu.dma_semaphore, #tpu.memory_space<semaphore_mem>>) src(%arg10 : memref<8x2048xf32, #tpu.memory_space<vmem>>) dst(%dma_wait3A_97 : memref<8x2048xf32, #tpu.memory_space<hbm>>)
    %dma_wait3A_98 = arith.constant 0 : i32
    %dma_wait3A_99 = tpu.memref_slice %arg5[%mul3A_2, %dma_wait3A_98] : memref<32768x2048xf32, #tpu.memory_space<hbm>> -> memref<8x2048xf32, #tpu.memory_space<hbm>>
    %dma_wait3A_100 = arith.constant 0 : i32
    %dma_wait3A_101 = tpu.memref_slice %arg5[%mul3A_2, %dma_wait3A_100] : memref<32768x2048xf32, #tpu.memory_space<hbm>> -> memref<8x2048xf32, #tpu.memory_space<hbm>>
    tpu.wait_dma2 semaphore(%arg23 : memref<!tpu.dma_semaphore, #tpu.memory_space<semaphore_mem>>) src(%arg11 : memref<8x2048xf32, #tpu.memory_space<vmem>>) dst(%dma_wait3A_101 : memref<8x2048xf32, #tpu.memory_space<hbm>>)
    %dma_wait3A_102 = arith.constant 0 : i32
    %dma_wait3A_103 = tpu.memref_slice %arg5[%mul3A_2, %dma_wait3A_102] : memref<32768x2048xf32, #tpu.memory_space<hbm>> -> memref<8x2048xf32, #tpu.memory_space<hbm>>
    %dma_wait3A_104 = arith.constant 0 : i32
    %dma_wait3A_105 = tpu.memref_slice %arg5[%mul3A_2, %dma_wait3A_104] : memref<32768x2048xf32, #tpu.memory_space<hbm>> -> memref<8x2048xf32, #tpu.memory_space<hbm>>
    tpu.wait_dma2 semaphore(%arg24 : memref<!tpu.dma_semaphore, #tpu.memory_space<semaphore_mem>>) src(%arg12 : memref<8x2048xf32, #tpu.memory_space<vmem>>) dst(%dma_wait3A_105 : memref<8x2048xf32, #tpu.memory_space<hbm>>)
    %dma_wait3A_106 = arith.constant 0 : i32
    %dma_wait3A_107 = tpu.memref_slice %arg5[%mul3A_2, %dma_wait3A_106] : memref<32768x2048xf32, #tpu.memory_space<hbm>> -> memref<8x2048xf32, #tpu.memory_space<hbm>>
    %dma_wait3A_108 = arith.constant 0 : i32
    %dma_wait3A_109 = tpu.memref_slice %arg5[%mul3A_2, %dma_wait3A_108] : memref<32768x2048xf32, #tpu.memory_space<hbm>> -> memref<8x2048xf32, #tpu.memory_space<hbm>>
    tpu.wait_dma2 semaphore(%arg25 : memref<!tpu.dma_semaphore, #tpu.memory_space<semaphore_mem>>) src(%arg13 : memref<8x2048xf32, #tpu.memory_space<vmem>>) dst(%dma_wait3A_109 : memref<8x2048xf32, #tpu.memory_space<hbm>>)
    return
  }
}

</mosaic_0001>

<sc_bundles>
// kernel: kernel.3.cloned.1.call-start
scs
__scs_entry_jumppad:
0x0: {  	(pc) =	sbr.rel $0x88, $3  }
0x1: {  	(tag) =	ssettag $0x0;
	lr =	simm.s32 $0x1  }
0x2: {  	[smem:$0x3F9E] =	sst lr;
	_ =	strace $0xD0000000  }
0x3: {  	_ = 	snop  }
0x4: {  	_ = 	snop  }
0x5: {  	_ = 	snop  }
0x6: {  	_ = 	snop  }
0x7: {  	_ = 	snop  }
__scs_overlays_trampoline_lowered:
0x8: {  	[smem:$0x3FAD] =	sst s0  }
0x9: {  	[smem:$0x3FAE] =	sst s1  }
0xa: {  	[smem:$0x3FAF] =	sst s2  }
0xb: {  	[smem:$0x3FB0] =	sst s3  }
0xc: {  	[smem:$0x3FB1] =	sst s4  }
0xd: {  	[smem:$0x3FB2] =	sst s5  }
0xe: {  	[smem:$0x3FB3] =	sst s6  }
0xf: {  	[smem:$0x3FB4] =	sst s7  }
0x10: {  	[smem:$0x3FB5] =	sst s8  }
0x11: {  	[smem:$0x3FB6] =	sst s9;
	s0 =	simm.s32 @!p0 $0x0  }
0x12: {  	s1 =	sld [smem:$0x3F9C];
	s0 =	simm.s32 @p0 $0x1  }
0x13: {  	[smem:$0x3FB7] =	sst s0;
	s0 =	simm.s32 @!p1 $0x0  }
0x14: {  	s2 =	sld [smem:$0x3F9B];
	s0 =	simm.s32 @p1 $0x1  }
0x15: {  	[smem:$0x3FB8] =	sst s0;
	s0 =	simm.s32 @!p2 $0x0  }
0x16: {  	s3 =	sld [smem:$0x3FDB];
	s0 =	simm.s32 @p2 $0x1  }
0x17: {  	s4 =	simm.s32 $0x1BF5;
	[smem:$0x3FBA] =	sst s0  }
0x18: {  	s0 =	sld [smem:$0x3F9D];
	_ =	swait.ge [sflag:s4], $0x0  }
0x19: {  	s7 =	sld [smem:$0x3F9E]  }
0x1a: {  	s8 =	sadd.s32 $0xFFFFE003, lr  }
0x1b: {  	s9 =	sadd.s32 $0xFFFFFEF7, lr;
	s5 =	simm.s32 $0xFFFFFFFF;
	p2 =	slt.u32 s8, $0xFFFFF086  }
0x1c: {  	p1 =	slt.u32 s9, $0xF7A;
	s5 =	simm.s32 @!p2 $0x0  }
0x1d: {  	s5 =	simm.s32 @p1 $0x1;
	p0 =	seq.s32 s7, s2  }
0x1e: {  	s7 =	smul.u32 @!p0 $0xF7A, s2;
	p2 =	seq.s32 @!p0 s5, $0x0  }
0x1f: {  	s9 =	smul.u32 $0xF7A, s1;
	s8 =	simm.s32 @!p0 $0x1BF5;
	p2 =	por !p2, p0  }
0x20: {  	[sflag:s8] =	ssyncset.s32 @!p0 $0xFFFFF086;
	s6 =	sadd.s32 @!p0 s3, s7;
	s7 =	simm.s32 @!p0 $0x108  }
0x21: {  	s3 =	sadd.s32 s3, s9;
	s6 =	sadd.s32 @!p0 $0x88, s6;
	s7 =	simm.s32 @p2 $0x1082  }
0x22: {  	[simem:s7], [sflag:s8] =	dma.local @!p0 [hbm:s6], $0xF7A  }
0x23: {  	s9 =	sor.u32 $0xD0000000, s2;
	s6 =	simm.s32 $0x108;
	_ =	swait.ge @!p0 [sflag:s8], $0x0  }
0x24: {  	s3 =	sadd.s32 $0x88, s3;
	s6 =	simm.s32 @!p1 $0x1082;
	[sflag:s4] =	ssyncset.s32 $0xFFFFF086  }
0x25: {  	[simem:s6], [sflag:s4] =	dma.local [hbm:s3], $0xF7A  }
0x26: {  	[smem:$0x3F9E] =	sst s1;
	(tag) =	ssettag s2;
	_ =	strace s9  }
0x27: {  	s1 =	sld [smem:$0x3FAE]  }
0x28: {  	s2 =	sld [smem:$0x3FAF]  }
0x29: {  	s4 =	sld [smem:$0x3FB1]  }
0x2a: {  	p0 =	seq.s32 s5, $0x0;
	s5 =	sld [smem:$0x3FB2]  }
0x2b: {  	s6 =	sld [smem:$0x3FB3]  }
0x2c: {  	s7 =	sld [smem:$0x3FB4]  }
0x2d: {  	s3 =	simm.s32 $0x108;
	s8 =	sld [smem:$0x3FB5]  }
0x2e: {  	s3 =	simm.s32 @!p0 $0x1082;
	s9 =	sld [smem:$0x3FB6]  }
0x2f: {  	lr =	sadd.s32 s0, s3;
	s0 =	sld [smem:$0x3FAD]  }
0x30: {  	s3 =	sld [smem:$0x3FB0]  }
0x31: {  	[smem:$0x3FB9] =	sst s10  }
0x32: {  	s10 =	sld [smem:$0x3FB7];
	_ =	sdelay $0x3  }
0x33: {  	p0 =	seq.s32 s10, $0x1;
	s10 =	sld [smem:$0x3FB9];
	_ =	sdelay $0x3  }
0x34: {  	[smem:$0x3FB9] =	sst s10  }
0x35: {  	s10 =	sld [smem:$0x3FB8];
	_ =	sdelay $0x3  }
0x36: {  	p1 =	seq.s32 s10, $0x1;
	s10 =	sld [smem:$0x3FB9];
	_ =	sdelay $0x3  }
0x37: {  	[smem:$0x3FB9] =	sst s10  }
0x38: {  	s10 =	sld [smem:$0x3FBA]  }
0x39: {  	_ = 	snop;
	(pc) =	sbr.ind lr, $3  }
0x3a: {  	_ = 	snop  }
0x3b: {  	_ = 	snop  }
0x3c: {  	p2 =	seq.s32 s10, $0x1;
	s10 =	sld [smem:$0x3FB9]  }
0x3d: {  	_ =	shalt  }
0x3e: {  	_ =	shalt  }
0x3f: {  	_ =	shalt  }
0x40: {  	_ =	shalt  }
0x41: {  	_ =	shalt  }
0x42: {  	_ =	shalt  }
0x43: {  	_ =	shalt  }
0x44: {  	_ =	shalt  }
0x45: {  	_ =	shalt  }
0x46: {  	_ =	shalt  }
0x47: {  	_ =	shalt  }
0x48: {  	_ =	shalt  }
0x49: {  	_ =	shalt  }
0x4a: {  	_ =	shalt  }
0x4b: {  	_ =	shalt  }
0x4c: {  	_ =	shalt  }
0x4d: {  	_ =	shalt  }
0x4e: {  	_ =	shalt  }
0x4f: {  	_ =	shalt  }
0x50: {  	_ =	shalt  }
0x51: {  	_ =	shalt  }
0x52: {  	_ =	shalt  }
0x53: {  	_ =	shalt  }
0x54: {  	_ =	shalt  }
0x55: {  	_ =	shalt  }
0x56: {  	_ =	shalt  }
0x57: {  	_ =	shalt  }
0x58: {  	_ =	shalt  }
0x59: {  	_ =	shalt  }
0x5a: {  	_ =	shalt  }
0x5b: {  	_ =	shalt  }
0x5c: {  	_ =	shalt  }
0x5d: {  	_ =	shalt  }
0x5e: {  	_ =	shalt  }
0x5f: {  	_ =	shalt  }
0x60: {  	_ =	shalt  }
0x61: {  	_ =	shalt  }
0x62: {  	_ =	shalt  }
0x63: {  	_ =	shalt  }
0x64: {  	_ =	shalt  }
0x65: {  	_ =	shalt  }
0x66: {  	_ =	shalt  }
0x67: {  	_ =	shalt  }
0x68: {  	_ =	shalt  }
0x69: {  	_ =	shalt  }
0x6a: {  	_ =	shalt  }
0x6b: {  	_ =	shalt  }
0x6c: {  	_ =	shalt  }
0x6d: {  	_ =	shalt  }
0x6e: {  	_ =	shalt  }
0x6f: {  	_ =	shalt  }
0x70: {  	_ =	shalt  }
0x71: {  	_ =	shalt  }
0x72: {  	_ =	shalt  }
0x73: {  	_ =	shalt  }
0x74: {  	_ =	shalt  }
0x75: {  	_ =	shalt  }
0x76: {  	_ =	shalt  }
0x77: {  	_ =	shalt  }
0x78: {  	_ =	shalt  }
0x79: {  	_ =	shalt  }
0x7a: {  	_ =	shalt  }
0x7b: {  	_ =	shalt  }
0x7c: {  	_ =	shalt  }
0x7d: {  	_ =	shalt  }
0x7e: {  	_ =	shalt  }
0x7f: {  	_ =	shalt  }
0x80: {  	_ =	shalt  }
0x81: {  	_ =	shalt  }
0x82: {  	_ =	shalt  }
0x83: {  	_ =	shalt  }
0x84: {  	_ =	shalt  }
0x85: {  	_ =	shalt  }
0x86: {  	_ =	shalt  }
0x87: {  	_ =	shalt  }
.Lfunc_end0:
.L_simem_size_0:
called_computation_lowered:
.L_overlay_start_0:
0x88: {  	s2 =	sld [smem:$0x3FD9]  }
0x89: {  	s3 =	sld [smem:$0x3FFE];
	_ =	sdelay $0x1  }
0x8a: {  	s1 =	srdreg.scid  }
0x8b: {  	s0 =	sand.u32 $0x1, s1  }
0x8c: {  	s17 =	sshll.u32 s0, $0xA;
	s2 =	sadd.s32 s3, s2  }
0x8d: {  	s2 =	sadd.s32 s2, s17  }
0x8e: {  	[smem:$0x3FC5] =	sst s2  }
0x8f: {  	_ = 	snop  }
0x90: {  	s2 =	sld [smem:$0x3FC8]  }
0x91: {  	s18 =	sld [smem:$0x3FC7]  }
0x92: {  	s4 =	sld [smem:$0x3FD0];
	(tm) =	ssettm $0x1  }
0x93: {  	s5 =	sld [smem:$0x3FFB];
	_ =	sdelay $0x3  }
0x94: {  	_ =	strace s5  }
0x95: {  	s5 =	sld [smem:$0x3FFC];
	_ =	sdelay $0x3  }
0x96: {  	_ =	strace s5  }
0x97: {  	s5 =	sld [smem:$0x3FFD];
	_ =	sdelay $0x3  }
0x98: {  	_ =	strace s5  }
0x99: {  	_ =	strace $0x8FFFFFFF  }
0x9a: {  	s19 =	sld [smem:$0x3FDB];
	_ =	sdelay $0x1  }
0x9b: {  	s6 =	simm.s32 $_scs_section_size  }
0x9c: {  	s7 =	simm.s32 $_size__tile_overlayer_lowered;
	s8 =	simm.s32 $_tile_overlayer_lowered  }
0x9d: {  	s22 =	simm.s32 $0x1BFF;
	s21 =	sshll.u32 s8, $0x1;
	s5 =	sadd.s32 s6, s19  }
0x9e: {  	s9 =	simm.s32 $0x0;
	s20 =	sshll.u32 s7, $0x1;
	s7 =	sadd.s32 s21, s5  }
0x9f: {  	[timem:s9], [sflag:s22] =	dma.local [hbm:s7], s20  }
0xa0: {  	_ =	swait.ge [sflag:s22], s20  }
0xa1: {  	s6 =	ssub.s32 $0x0, s20;
	[sflag:s22] =	ssyncset.done $0x0  }
0xa2: {  	[sflag:s22] =	ssyncadd.s32 s6;
	_ =	sdelay $0x1  }
0xa3: {  	s23 =	simm.s32 $0x1B8B  }
0xa4: {  	_ =	swait.ge [sflag:s23], $0x1  }
0xa5: {  	[sflag:s23] =	ssyncset.done $0x0  }
0xa6: {  	s25 =	simm.s32 $0x1B8E;
	s24 =	sld [smem:$0x3FFE];
	[sflag:s23] =	ssyncadd.s32 $0xFFFFFFFF  }
0xa7: {  	s26 =	simm.s32 $execute0_lowered;
	[smem:$0x3FD2] =	sst s25  }
0xa8: {  	s7 =	sshll.u32 s26, $0x1;
	_ =	strace $0x80000046;
	[dreg:$0x1] =	wrdreg $0xFFFFFFFF  }
0xa9: {  	s28 =	simm.s32 $_size_execute0_lowered;
	s5 =	sadd.s32 s5, s7;
	[dreg:$0x0] =	wrdreg $0x0  }
0xaa: {  	s7 =	sshll.u32 s28, $0x1;
	[dreg:$0x2] =	wrdreg s5  }
0xab: {  	[dreg:$0x3] =	wrdreg s7  }
0xac: {  	[dreg:$0x4] =	wrdreg $0xC0  }
0xad: {  	_ =	task [dreg:s9], $0x5FFFF  }
0xae: {  	[dreg:$0x1] =	wrdreg $0xFFFFFFFF  }
0xaf: {  	[dreg:$0x0] =	wrdreg $0x60  }
0xb0: {  	[dreg:$0x2] =	wrdreg s24  }
0xb1: {  	[dreg:$0x3] =	wrdreg s2  }
0xb2: {  	[dreg:$0x4] =	wrdreg s18  }
0xb3: {  	[dreg:$0x5] =	wrdreg s4  }
0xb4: {  	[dreg:$0x6] =	wrdreg $0x9  }
0xb5: {  	_ =	task.clear_ibuf [dreg:s9], $0x7FFFF;
	_ =	strace $0x90000046  }
0xb6: {  	s29 =	simm.s32 $0x9;
	_ =	strace $0x80000048  }
0xb7: {  	_ =	swait.ge [sflag:s29], $0x1  }
0xb8: {  	[sflag:s29] =	ssyncadd.s32 $0xFFFFFFFF  }
0xb9: {  	_ =	strace $0x90000048  }
0xba: {  	_ =	sfence  }
0xbb: {  	s30 =	sld [smem:$0x0];
	_ =	sdelay $0x2  }
0xbc: {  	s31 =	sshll.u32 s1, $0xD;
	s1 =	sshrl.u32 s1, $0x2  }
0xbd: {  	s3 =	sand.u32 $0x4000, s31;
	s1 =	sadd.s32 s1, s30  }
0xbe: {  	s0 =	sor.u32 s3, s0;
	s1 =	sshll.u32 s1, $0x11  }
0xbf: {  	s0 =	sor.u32 s1, s0  }
0xc0: {  	s0 =	sadd.s32 $0x8F2B, s0  }
0xc1: {  	[sflag:s0] =	ssyncadd.remote.s32 $0x1  }
0xc2: {  	_ =	sfence.sel $0xFFFF  }
0xc3: {  	[dreg:$0x0] =	wrdreg $0xFFFFFFFF;
	(pc) =	sbr.abs _section_cstart, $3  }
0xc4: {  	[dreg:$0x1] =	wrdreg $0xFFFFFFFF  }
0xc5: {  	_ =	task.clear_ibuf [dreg:s9], $0x2FFFF;
	_ =	strace $0x9FFFFFFF  }
0xc6: {  	(tm) =	ssettm $0x7FFFFFFF  }
0xc7: {  	_ =	shalt  }
tec
execute0_lowered:
.L_overlay_start_1:
0x0: {  	(tag) =	ssettag $0x1  }
0x1: {  	s0 =	rddreg [dreg:$0x0]  }
0x2: {  	s2 =	rddreg [dreg:$0x1]  }
0x3: {  	s3 =	rddreg [dreg:$0x2];
	s1 =	srdreg.scid  }
0x4: {  	s4 =	rddreg [dreg:$0x3];
	s5 =	stileid.u32  }
0x5: {  	s18 =	simm.s32 $0xD;
	s28 =	simm.s32 $0xC880;
	s20 =	simm.s32 $0x1  }
0x6: {  	s30 =	simm.s32 $0x10880;
	s23 =	simm.s32 $0x2;
	s31 =	simm.s32 $0x7  }
0x7: {  	s29 =	simm.s32 $0xA;
	s16 =	simm.s32 $0x0;
	s1 =	sand.u32 $0x1, s1  }
0x8: {  	s6 =	sshll.u32 s5, $0xB;
	s5 =	simm.s32 $0x0;
	s9 =	sadd.s32 $0x200, s2  }
0x9: {  	s10 =	sadd.s32 $0x300, s2;
	s11 =	sadd.s32 $0x400, s2;
	s12 =	sadd.s32 $0x500, s2  }
0xa: {  	s13 =	sadd.s32 $0x600, s2;
	s14 =	sadd.s32 $0x700, s2;
	s7 =	sshll.u32 s1, $0xA  }
0xb: {  	s1 =	ssub.s32 $0x2, s1;
	[smem:$0x7FF] =	sst s5;
	s6 =	sor.u32 s7, s6  }
0xc: {  	s8 =	sshrl.u32 s1, $0x1;
	_ =	strace $0x80000047;
	s7 =	sshrl.u32 s6, $0x3  }
0xd: {  	s1 =	ssub.s32 s1, s8;
	s8 =	sadd.s32 $0x100, s2;
	s0 =	sadd.s32 s7, s0  }
.Ltmp0:
0xe: {  	s24 =	sshll.u32 s6, $0x8;
	s0 =	sadd.s32 $0x400, s0;
	(pc) =	sbr.rel .LBB2_1-.Ltmp0, $4  }
0xf: {  	v0 =	vlaneseq.u32;
	vm0 =	vmmov $0xffff;
	s26 =	smax.u32 s1, $0x1;
	[dreg:$0x5] =	wrdreg s0;
	s0 =	sadd.s32 s24, s4  }
0x10: {  	vm1 =	vmmov $0xff;
	v4 =	vmul.u32 $0xFFFFFE00, v0;
	v5 =	vmul.u32 $0x200, v0;
	s1 =	simm.s32 $0x6;
	[dreg:$0x8] =	wrdreg s26;
	s25 =	sadd.s32 $0x3F000, s0  }
0x11: {  	v3 =	vimm.s32 $0x0;
	v1 =	vand.u32 $0x7, v0;
	v2 =	vshrl.u32 v0, $0x3;
	s24 =	simm.s32 $0x880;
	s0 =	sadd.s32 $0x3F800, s0;
	[dreg:$0x6] =	wrdreg s25  }
0x12: {  	v2 =	vmul.u32 $0x8, v2;
	v4 =	vadd.s32 $0xFFFFFFFF, v4;
	v5 =	vor.u32 $0x80000000, v5;
	[dreg:$0x7] =	wrdreg s0;
	s0 =	simm.s32 $0x8;
	s25 =	simm.s32 $0x5  }
.LBB2_30:
0x13: {  	s7 =	rddreg [dreg:$0x7];
	s15 =	simm.s32 $0x4880  }
0x14: {  	[hbm4b:s7+s5] =	stream.linear.scatter [tilespmem:s15], [sflag:$0x8], $0x4000, $0x38;
	[tilespmem:$0x18880] =	vst v63  }
0x15: {  	_ =	swait.ge [sflag:s31], $0x4000  }
0x16: {  	[sflag:s31] =	ssyncset.done $0x0  }
0x17: {  	[sflag:s31] =	ssyncadd.s32 $0xFFFFC000  }
0x18: {  	_ =	swait.ge [sflag:s0], $0x4000  }
0x19: {  	[sflag:s0] =	ssyncset.done $0x0  }
0x1a: {  	s19 =	simm.s32 $0x9;
	[sflag:s0] =	ssyncadd.s32 $0xFFFFC000  }
0x1b: {  	_ =	swait.ge [sflag:s19], $0x4000  }
0x1c: {  	[sflag:s19] =	ssyncset.done $0x0  }
0x1d: {  	[sflag:s19] =	ssyncadd.s32 $0xFFFFC000  }
0x1e: {  	_ =	swait.ge [sflag:s29], $0x4000  }
0x1f: {  	[sflag:s29] =	ssyncset.done $0x0  }
0x20: {  	s21 =	simm.s32 $0xB;
	[sflag:s29] =	ssyncadd.s32 $0xFFFFC000  }
0x21: {  	_ =	swait.ge [sflag:s21], $0x4000  }
0x22: {  	[sflag:s21] =	ssyncset.done $0x0  }
0x23: {  	s22 =	simm.s32 $0xC;
	[sflag:s21] =	ssyncadd.s32 $0xFFFFC000  }
0x24: {  	_ =	swait.ge [sflag:s22], $0x4000  }
0x25: {  	s16 =	rddreg [dreg:$0x9]  }
0x26: {  	s26 =	rddreg [dreg:$0x8];
	s16 =	sadd.s32 $0x1, s16  }
0x27: {  	p0 =	sne.s32 s16, s26  }
.Ltmp1:
0x28: {  	_ = 	snop;
	(pc) =	sbr.rel @!p0 .LBB2_31-.Ltmp1, $3  }
0x29: {  	_ =	sdelay $0x1  }
0x2a: {  	[sflag:s22] =	ssyncset.done $0x0  }
0x2b: {  	[sflag:s22] =	ssyncadd.s32 $0xFFFFC000  }
.LBB2_1:
0x2c: {  	[dreg:$0x9] =	wrdreg s16  }
0x2d: {  	s7 =	rddreg [dreg:$0x5]  }
0x2e: {  	[tilespmem:s5], [sflag:$0xD] =	stream.linear.gather [hbm4b:s7+s5], $0x400, $0x38;
	[tilespmem:$0x18880] =	vst v63  }
0x2f: {  	_ =	swait.ge [sflag:s18], $0x400  }
0x30: {  	[sflag:s18] =	ssyncset.done $0x0  }
0x31: {  	s7 =	simm.s32 $0x0;
	[sflag:s18] =	ssyncadd.s32 $0xFFFFFC00  }
0x32: {  	v6 =	vld [tilespmem:s7+$0x0]  }
0x33: {  	s15 =	simm.s32 $0x40  }
.LBB2_2:
0x34: {  	p0 =	sne.s32 s15, $0xFC0  }
.Ltmp2:
0x35: {  	_ = 	snop;
	(pc) =	sbr.rel @p0 .LBB2_2-.Ltmp2, $4  }
0x36: {  	_ = 	snop  }
0x37: {  	s16 =	sshra.s32 s15, $0x2;
	s15 =	sadd.s32 $0x40, s15;
	vm2 =	vlt.s32 v6, $0xBFFF  }
0x38: {  	v7 =	vnsel vm2, $0xBFFF, v6;
	v6 =	vld [tilespmem:s16+$0x0]  }
0x39: {  	[tilespmem:s7+$0x480] =	vst v7;
	s7 =	smov.u32 s16  }
0x3a: {  	_ =	sdelay $0x2  }
0x3b: {  	vm2 =	vlt.s32 v6, $0xBFFF  }
0x3c: {  	v6 =	vnsel vm2, $0xBFFF, v6  }
0x3d: {  	[tilespmem:s7+$0x480] =	vst v6  }
0x3e: {  	v6 =	vld.msk [tilespmem:$0x480], $0xff;
	_ =	sdelay $0x4  }
0x3f: {  	v7 =	vshll.u32 v6, $0x4  }
0x40: {  	v6 =	vand.u32 $0x7, v6;
	v7 =	vand.u32 $0xFFFFFF80, v7  }
0x41: {  	v6 =	vor.u32 v6, v7  }
0x42: {  	v6 =	vperm.xlane v6, v1;
	_ =	sdelay $0x1  }
0x43: {  	v6 =	vadd.s32 v2, v6;
	_ =	sdelay $0x3  }
0x44: {  	s7 =	simm.s32 $0x0  }
0x45: {  	[tilespmem:s24], [sflag:$0x1] =	stream.indirect_vreg.gather [hbm4b:s2+s7], $0x80, v6, vm0, $0xb8;
	[tilespmem:$0x18880] =	vst v63  }
0x46: {  	s15 =	simm.s32 $0x1080  }
0x47: {  	[tilespmem:s15], [sflag:$0x1] =	stream.indirect_vreg.gather [hbm4b:s8+s7], $0x80, v6, vm0, $0xb8;
	[tilespmem:$0x18880] =	vst v63  }
0x48: {  	s19 =	simm.s32 $0x1880  }
0x49: {  	[tilespmem:s19], [sflag:$0x1] =	stream.indirect_vreg.gather [hbm4b:s9+s7], $0x80, v6, vm0, $0xb8;
	[tilespmem:$0x18880] =	vst v63  }
0x4a: {  	s21 =	simm.s32 $0x2080  }
0x4b: {  	[tilespmem:s21], [sflag:$0x1] =	stream.indirect_vreg.gather [hbm4b:s10+s7], $0x80, v6, vm0, $0xb8;
	[tilespmem:$0x18880] =	vst v63  }
0x4c: {  	s22 =	simm.s32 $0x2880  }
0x4d: {  	[tilespmem:s22], [sflag:$0x1] =	stream.indirect_vreg.gather [hbm4b:s11+s7], $0x80, v6, vm0, $0xb8;
	[tilespmem:$0x18880] =	vst v63  }
0x4e: {  	s26 =	simm.s32 $0x3080  }
0x4f: {  	[tilespmem:s26], [sflag:$0x1] =	stream.indirect_vreg.gather [hbm4b:s12+s7], $0x80, v6, vm0, $0xb8;
	[tilespmem:$0x18880] =	vst v63  }
0x50: {  	s16 =	simm.s32 $0x3880  }
0x51: {  	[tilespmem:s16], [sflag:$0x1] =	stream.indirect_vreg.gather [hbm4b:s13+s7], $0x80, v6, vm0, $0xb8;
	[tilespmem:$0x18880] =	vst v63  }
0x52: {  	s17 =	simm.s32 $0x4080  }
0x53: {  	[tilespmem:s17], [sflag:$0x1] =	stream.indirect_vreg.gather [hbm4b:s14+s7], $0x80, v6, vm0, $0xb8;
	[tilespmem:$0x18880] =	vst v63  }
0x54: {  	v6 =	vld.msk [tilespmem:$0x488], $0xff;
	_ =	sdelay $0x4  }
0x55: {  	v7 =	vshll.u32 v6, $0x4  }
0x56: {  	v6 =	vand.u32 $0x7, v6;
	v7 =	vand.u32 $0xFFFFFF80, v7  }
0x57: {  	v6 =	vor.u32 v6, v7  }
0x58: {  	v6 =	vperm.xlane v6, v1;
	_ =	sdelay $0x1  }
0x59: {  	v6 =	vadd.s32 v2, v6;
	_ =	sdelay $0x3  }
0x5a: {  	s19 =	simm.s32 $0x4880  }
0x5b: {  	[tilespmem:s19], [sflag:$0x2] =	stream.indirect_vreg.gather [hbm4b:s2+s7], $0x80, v6, vm0, $0xb8;
	[tilespmem:$0x18880] =	vst v63  }
0x5c: {  	s21 =	simm.s32 $0x5080  }
0x5d: {  	[tilespmem:s21], [sflag:$0x2] =	stream.indirect_vreg.gather [hbm4b:s8+s7], $0x80, v6, vm0, $0xb8;
	[tilespmem:$0x18880] =	vst v63  }
0x5e: {  	s22 =	simm.s32 $0x5880  }
0x5f: {  	[tilespmem:s22], [sflag:$0x2] =	stream.indirect_vreg.gather [hbm4b:s9+s7], $0x80, v6, vm0, $0xb8;
	[tilespmem:$0x18880] =	vst v63  }
0x60: {  	s26 =	simm.s32 $0x6080  }
0x61: {  	[tilespmem:s26], [sflag:$0x2] =	stream.indirect_vreg.gather [hbm4b:s10+s7], $0x80, v6, vm0, $0xb8;
	[tilespmem:$0x18880] =	vst v63  }
0x62: {  	s16 =	simm.s32 $0x6880  }
0x63: {  	[tilespmem:s16], [sflag:$0x2] =	stream.indirect_vreg.gather [hbm4b:s11+s7], $0x80, v6, vm0, $0xb8;
	[tilespmem:$0x18880] =	vst v63  }
0x64: {  	s17 =	simm.s32 $0x7080  }
0x65: {  	[tilespmem:s17], [sflag:$0x2] =	stream.indirect_vreg.gather [hbm4b:s12+s7], $0x80, v6, vm0, $0xb8;
	[tilespmem:$0x18880] =	vst v63  }
0x66: {  	s19 =	simm.s32 $0x7880  }
0x67: {  	[tilespmem:s19], [sflag:$0x2] =	stream.indirect_vreg.gather [hbm4b:s13+s7], $0x80, v6, vm0, $0xb8;
	[tilespmem:$0x18880] =	vst v63  }
0x68: {  	s21 =	simm.s32 $0x8080  }
0x69: {  	[tilespmem:s21], [sflag:$0x2] =	stream.indirect_vreg.gather [hbm4b:s14+s7], $0x80, v6, vm0, $0xb8;
	[tilespmem:$0x18880] =	vst v63  }
0x6a: {  	v6 =	vld.msk [tilespmem:$0x490], $0xff;
	_ =	sdelay $0x4  }
0x6b: {  	v7 =	vshll.u32 v6, $0x4  }
0x6c: {  	v6 =	vand.u32 $0x7, v6;
	v7 =	vand.u32 $0xFFFFFF80, v7  }
0x6d: {  	v6 =	vor.u32 v6, v7  }
0x6e: {  	v6 =	vperm.xlane v6, v1;
	_ =	sdelay $0x1  }
0x6f: {  	v6 =	vadd.s32 v2, v6;
	_ =	sdelay $0x3  }
0x70: {  	s22 =	simm.s32 $0x8880  }
0x71: {  	[tilespmem:s22], [sflag:$0x3] =	stream.indirect_vreg.gather [hbm4b:s2+s7], $0x80, v6, vm0, $0xb8;
	[tilespmem:$0x18880] =	vst v63  }
0x72: {  	s26 =	simm.s32 $0x9080  }
0x73: {  	[tilespmem:s26], [sflag:$0x3] =	stream.indirect_vreg.gather [hbm4b:s8+s7], $0x80, v6, vm0, $0xb8;
	[tilespmem:$0x18880] =	vst v63  }
0x74: {  	s16 =	simm.s32 $0x9880  }
0x75: {  	[tilespmem:s16], [sflag:$0x3] =	stream.indirect_vreg.gather [hbm4b:s9+s7], $0x80, v6, vm0, $0xb8;
	[tilespmem:$0x18880] =	vst v63  }
0x76: {  	s17 =	simm.s32 $0xA080  }
0x77: {  	[tilespmem:s17], [sflag:$0x3] =	stream.indirect_vreg.gather [hbm4b:s10+s7], $0x80, v6, vm0, $0xb8;
	[tilespmem:$0x18880] =	vst v63  }
0x78: {  	s19 =	simm.s32 $0xA880  }
0x79: {  	[tilespmem:s19], [sflag:$0x3] =	stream.indirect_vreg.gather [hbm4b:s11+s7], $0x80, v6, vm0, $0xb8;
	[tilespmem:$0x18880] =	vst v63  }
0x7a: {  	s21 =	simm.s32 $0xB080  }
0x7b: {  	[tilespmem:s21], [sflag:$0x3] =	stream.indirect_vreg.gather [hbm4b:s12+s7], $0x80, v6, vm0, $0xb8;
	[tilespmem:$0x18880] =	vst v63  }
0x7c: {  	s22 =	simm.s32 $0xB880  }
0x7d: {  	[tilespmem:s22], [sflag:$0x3] =	stream.indirect_vreg.gather [hbm4b:s13+s7], $0x80, v6, vm0, $0xb8;
	[tilespmem:$0x18880] =	vst v63  }
0x7e: {  	s26 =	simm.s32 $0xC080  }
0x7f: {  	[tilespmem:s26], [sflag:$0x3] =	stream.indirect_vreg.gather [hbm4b:s14+s7], $0x80, v6, vm0, $0xb8;
	[tilespmem:$0x18880] =	vst v63  }
0x80: {  	v6 =	vld.msk [tilespmem:$0x498], $0xff;
	_ =	sdelay $0x4  }
0x81: {  	v7 =	vshll.u32 v6, $0x4  }
0x82: {  	v6 =	vand.u32 $0x7, v6;
	v7 =	vand.u32 $0xFFFFFF80, v7  }
0x83: {  	v6 =	vor.u32 v6, v7  }
0x84: {  	v6 =	vperm.xlane v6, v1;
	_ =	sdelay $0x1  }
0x85: {  	v6 =	vadd.s32 v2, v6;
	_ =	sdelay $0x4  }
0x86: {  	[tilespmem:s28], [sflag:$0x4] =	stream.indirect_vreg.gather [hbm4b:s2+s7], $0x80, v6, vm0, $0xb8;
	[tilespmem:$0x18880] =	vst v63  }
0x87: {  	s16 =	simm.s32 $0xD080  }
0x88: {  	[tilespmem:s16], [sflag:$0x4] =	stream.indirect_vreg.gather [hbm4b:s8+s7], $0x80, v6, vm0, $0xb8;
	[tilespmem:$0x18880] =	vst v63  }
0x89: {  	s17 =	simm.s32 $0xD880  }
0x8a: {  	[tilespmem:s17], [sflag:$0x4] =	stream.indirect_vreg.gather [hbm4b:s9+s7], $0x80, v6, vm0, $0xb8;
	[tilespmem:$0x18880] =	vst v63  }
0x8b: {  	s19 =	simm.s32 $0xE080  }
0x8c: {  	[tilespmem:s19], [sflag:$0x4] =	stream.indirect_vreg.gather [hbm4b:s10+s7], $0x80, v6, vm0, $0xb8;
	[tilespmem:$0x18880] =	vst v63  }
0x8d: {  	s21 =	simm.s32 $0xE880  }
0x8e: {  	[tilespmem:s21], [sflag:$0x4] =	stream.indirect_vreg.gather [hbm4b:s11+s7], $0x80, v6, vm0, $0xb8;
	[tilespmem:$0x18880] =	vst v63  }
0x8f: {  	s22 =	simm.s32 $0xF080  }
0x90: {  	[tilespmem:s22], [sflag:$0x4] =	stream.indirect_vreg.gather [hbm4b:s12+s7], $0x80, v6, vm0, $0xb8;
	[tilespmem:$0x18880] =	vst v63  }
0x91: {  	s26 =	simm.s32 $0xF880  }
0x92: {  	[tilespmem:s26], [sflag:$0x4] =	stream.indirect_vreg.gather [hbm4b:s13+s7], $0x80, v6, vm0, $0xb8;
	[tilespmem:$0x18880] =	vst v63  }
0x93: {  	s28 =	simm.s32 $0x10080  }
0x94: {  	[tilespmem:s28], [sflag:$0x4] =	stream.indirect_vreg.gather [hbm4b:s14+s7], $0x80, v6, vm0, $0xb8;
	[tilespmem:$0x18880] =	vst v63  }
.LBB2_4:
0x95: {  	_ =	swait.ge [sflag:s20], $0x4000  }
0x96: {  	s16 =	smul.u32 $0x30, s7;
	[sflag:s20] =	ssyncset.done $0x0  }
0x97: {  	[sflag:s20] =	ssyncadd.s32 $0xFFFFC000  }
0x98: {  	v7 =	vld [tilespmem:s16+$0x0];
	_ =	sdelay $0x4  }
0x99: {  	vm2 =	vgt.s32 v7, $0xBFFF  }
0x9a: {  	vm2 =	vmand vm2, vm1  }
0x9b: {  	v6 =	vsel vm2, $0x1, v3  }
0x9c: {  	(xrf0) =	vadd.scan.msk.s32 $0xffff, v6;
	_ =	sdelay $0x5  }
0x9d: {  	v8, _, _ =	vpop (xrf0)  }
0x9e: {  	(v2sf) =	vpush v8, $0xF;
	_ =	sdelay $0xe  }
0x9f: {  	s15 =	spop (v2sf)  }
0xa0: {  	p0 =	slt.s32 s15, $0x1  }
.Ltmp3:
0xa1: {  	_ = 	snop;
	(pc) =	sbr.rel @p0 .LBB2_7-.Ltmp3, $1  }
0xa2: {  	_ =	sdelay $0x3  }
0xa3: {  	v7 =	vadd.s32 $0xFFFF4000, v7  }
0xa4: {  	v7 =	vand.u32 v4, v7  }
0xa5: {  	v7 =	vxor.u32 v5, v7  }
.LBB2_6:
0xa6: {  	vm2 =	veq.s32 v6, $0x0  }
0xa7: {  	v8 =	vsel vm2, $0xC0000000, v7  }
0xa8: {  	(xrf0) =	vmin.scan.msk.u32 $0xffff, v8;
	_ =	sdelay $0x5  }
0xa9: {  	v8, _, _ =	vpop (xrf0)  }
0xaa: {  	(v2sf) =	vpush v8, $0xF;
	_ =	sdelay $0xe  }
0xab: {  	s15 =	spop (v2sf)  }
0xac: {  	s17 =	sshll.u32 s15, $0xB  }
0xad: {  	s26 =	sshra.s32 s15, $0x9;
	s15 =	sshll.u32 s15, $0x7;
	s17 =	sand.u32 $0xFC000, s17  }
0xae: {  	s15 =	sand.u32 $0x380, s15;
	s21 =	sshll.u32 s26, $0x7;
	s19 =	sshll.u32 s26, $0xB  }
0xaf: {  	s15 =	sor.u32 s15, s17;
	s21 =	sand.u32 $0x380, s21;
	s19 =	sand.u32 $0xFFFFC000, s19  }
0xb0: {  	s15 =	sshrl.u32 s15, $0x3;
	s17 =	sor.u32 s21, s19  }
0xb1: {  	s15 =	sadd.s32 s3, s15;
	s19 =	sadd.s32 $0x880, s17  }
0xb2: {  	[tilespmem:s19], [sflag:$0xD] =	stream.linear.gather [hbm4b:s15+s5], $0x80, $0x38;
	[tilespmem:$0x18880] =	vst v63  }
0xb3: {  	s28 =	sadd.s32 $0xC80, s17;
	s22 =	sadd.s32 $0x80, s15  }
0xb4: {  	[tilespmem:s28], [sflag:$0xD] =	stream.linear.gather [hbm4b:s22+s5], $0x80, $0x38;
	[tilespmem:$0x18880] =	vst v63  }
0xb5: {  	s22 =	sadd.s32 $0x100, s15;
	s28 =	sadd.s32 $0x1080, s17  }
0xb6: {  	[tilespmem:s28], [sflag:$0xD] =	stream.linear.gather [hbm4b:s22+s5], $0x80, $0x38;
	[tilespmem:$0x18880] =	vst v63  }
0xb7: {  	s22 =	sadd.s32 $0x180, s15;
	s28 =	sadd.s32 $0x1480, s17  }
0xb8: {  	[tilespmem:s28], [sflag:$0xD] =	stream.linear.gather [hbm4b:s22+s5], $0x80, $0x38;
	[tilespmem:$0x18880] =	vst v63  }
0xb9: {  	s22 =	sadd.s32 $0x200, s15;
	s28 =	sadd.s32 $0x1880, s17  }
0xba: {  	[tilespmem:s28], [sflag:$0xD] =	stream.linear.gather [hbm4b:s22+s5], $0x80, $0x38;
	[tilespmem:$0x18880] =	vst v63  }
0xbb: {  	s22 =	sadd.s32 $0x280, s15;
	s28 =	sadd.s32 $0x1C80, s17  }
0xbc: {  	[tilespmem:s28], [sflag:$0xD] =	stream.linear.gather [hbm4b:s22+s5], $0x80, $0x38;
	[tilespmem:$0x18880] =	vst v63  }
0xbd: {  	s22 =	sadd.s32 $0x300, s15;
	s28 =	sadd.s32 $0x2080, s17  }
0xbe: {  	[tilespmem:s28], [sflag:$0xD] =	stream.linear.gather [hbm4b:s22+s5], $0x80, $0x38;
	[tilespmem:$0x18880] =	vst v63  }
0xbf: {  	s22 =	sadd.s32 $0x380, s15;
	s28 =	sadd.s32 $0x2480, s17  }
0xc0: {  	[tilespmem:s28], [sflag:$0xD] =	stream.linear.gather [hbm4b:s22+s5], $0x80, $0x38;
	[tilespmem:$0x18880] =	vst v63  }
0xc1: {  	s22 =	sadd.s32 $0x400, s15;
	s28 =	sadd.s32 $0x2880, s17  }
0xc2: {  	[tilespmem:s28], [sflag:$0xD] =	stream.linear.gather [hbm4b:s22+s5], $0x80, $0x38;
	[tilespmem:$0x18880] =	vst v63  }
0xc3: {  	s22 =	sadd.s32 $0x480, s15;
	s28 =	sadd.s32 $0x2C80, s17  }
0xc4: {  	[tilespmem:s28], [sflag:$0xD] =	stream.linear.gather [hbm4b:s22+s5], $0x80, $0x38;
	[tilespmem:$0x18880] =	vst v63  }
0xc5: {  	s22 =	sadd.s32 $0x500, s15;
	s28 =	sadd.s32 $0x3080, s17  }
0xc6: {  	[tilespmem:s28], [sflag:$0xD] =	stream.linear.gather [hbm4b:s22+s5], $0x80, $0x38;
	[tilespmem:$0x18880] =	vst v63  }
0xc7: {  	s22 =	sadd.s32 $0x580, s15;
	s28 =	sadd.s32 $0x3480, s17  }
0xc8: {  	[tilespmem:s28], [sflag:$0xD] =	stream.linear.gather [hbm4b:s22+s5], $0x80, $0x38;
	[tilespmem:$0x18880] =	vst v63  }
0xc9: {  	s22 =	sadd.s32 $0x600, s15;
	s28 =	sadd.s32 $0x3880, s17  }
0xca: {  	[tilespmem:s28], [sflag:$0xD] =	stream.linear.gather [hbm4b:s22+s5], $0x80, $0x38;
	[tilespmem:$0x18880] =	vst v63  }
0xcb: {  	s22 =	sadd.s32 $0x680, s15;
	s28 =	sadd.s32 $0x3C80, s17  }
0xcc: {  	[tilespmem:s28], [sflag:$0xD] =	stream.linear.gather [hbm4b:s22+s5], $0x80, $0x38;
	[tilespmem:$0x18880] =	vst v63  }
0xcd: {  	s26 =	sxor.u32 $0xFFC00000, s26;
	s21 =	sadd.s32 $0x700, s15;
	s22 =	sadd.s32 $0x4080, s17  }
0xce: {  	[tilespmem:s22], [sflag:$0xD] =	stream.linear.gather [hbm4b:s21+s5], $0x80, $0x38;
	[tilespmem:$0x18880] =	vst v63  }
0xcf: {  	v8 =	vmov s26;
	s15 =	sadd.s32 $0x780, s15;
	s17 =	sadd.s32 $0x4480, s17  }
0xd0: {  	vm2 =	veq.s32 v8, v0;
	[tilespmem:s17], [sflag:$0xD] =	stream.linear.gather [hbm4b:s15+s5], $0x80, $0x38;
	[tilespmem:$0x18880] =	vst v63  }
0xd1: {  	v6 =	vsel vm2, $0x0, v6;
	_ =	swait.ge [sflag:s18], $0x800  }
0xd2: {  	(xrf0) =	vadd.scan.msk.s32 $0xffff, v6;
	_ =	sdelay $0x5  }
0xd3: {  	v8, _, _ =	vpop (xrf0)  }
0xd4: {  	(v2sf) =	vpush v8, $0xF;
	_ =	sdelay $0xe  }
0xd5: {  	s28 =	spop (v2sf)  }
0xd6: {  	p0 =	sgt.s32 s28, $0x0  }
.Ltmp4:
0xd7: {  	_ = 	snop;
	(pc) =	sbr.rel @p0 .LBB2_6-.Ltmp4, $3  }
0xd8: {  	_ =	sdelay $0x1  }
0xd9: {  	[sflag:s18] =	ssyncset.done $0x0  }
0xda: {  	[sflag:s18] =	ssyncadd.s32 $0xFFFFF800  }
.LBB2_7:
0xdb: {  	s15 =	sadd.s32 s6, s16  }
0xdc: {  	s15 =	sshll.u32 s15, $0x8  }
0xdd: {  	s15 =	sadd.s32 s4, s15  }
0xde: {  	[hbm4b:s15+s5] =	stream.linear.scatter [tilespmem:s24], [sflag:$0x7], $0x4000, $0x38;
	[tilespmem:$0x18880] =	vst v63  }
0xdf: {  	p0 =	seq.s32 s7, $0x0;
	s15 =	smul.u32 $0x6, s7  }
0xe0: {  	s17 =	simm.s32 @!p0 $0xB  }
0xe1: {  	_ =	swait.ge @!p0 [sflag:s17], $0x4000;
	s19 =	sadd.s32 $0x4, s15  }
0xe2: {  	[sflag:s17] =	ssyncset.done @!p0 $0x0;
	s26 =	sshll.u32 s19, $0x3  }
0xe3: {  	[sflag:s17] =	ssyncadd.s32 @!p0 $0xFFFFC000;
	s21 =	sand.u32 $0x3FFFFFF8, s26  }
0xe4: {  	v6 =	vld.msk [tilespmem:s21+$0x480], $0xff;
	_ =	sdelay $0x4  }
0xe5: {  	v7 =	vshll.u32 v6, $0x4  }
0xe6: {  	v6 =	vand.u32 $0x7, v6;
	v7 =	vand.u32 $0xFFFFFF80, v7  }
0xe7: {  	v6 =	vor.u32 v6, v7  }
0xe8: {  	v6 =	vperm.xlane v6, v1;
	_ =	sdelay $0x1  }
0xe9: {  	v6 =	vadd.s32 v2, v6;
	_ =	sdelay $0x4  }
0xea: {  	[tilespmem:s30], [sflag:$0x5] =	stream.indirect_vreg.gather [hbm4b:s2+s5], $0x80, v6, vm0, $0xb8;
	[tilespmem:$0x18880] =	vst v63  }
0xeb: {  	s22 =	simm.s32 $0x11080  }
0xec: {  	[tilespmem:s22], [sflag:$0x5] =	stream.indirect_vreg.gather [hbm4b:s8+s5], $0x80, v6, vm0, $0xb8;
	[tilespmem:$0x18880] =	vst v63  }
0xed: {  	s28 =	simm.s32 $0x11880  }
0xee: {  	[tilespmem:s28], [sflag:$0x5] =	stream.indirect_vreg.gather [hbm4b:s9+s5], $0x80, v6, vm0, $0xb8;
	[tilespmem:$0x18880] =	vst v63  }
0xef: {  	s30 =	simm.s32 $0x12080  }
0xf0: {  	[tilespmem:s30], [sflag:$0x5] =	stream.indirect_vreg.gather [hbm4b:s10+s5], $0x80, v6, vm0, $0xb8;
	[tilespmem:$0x18880] =	vst v63  }
0xf1: {  	s19 =	simm.s32 $0x12880  }
0xf2: {  	[tilespmem:s19], [sflag:$0x5] =	stream.indirect_vreg.gather [hbm4b:s11+s5], $0x80, v6, vm0, $0xb8;
	[tilespmem:$0x18880] =	vst v63  }
0xf3: {  	s21 =	simm.s32 $0x13080  }
0xf4: {  	[tilespmem:s21], [sflag:$0x5] =	stream.indirect_vreg.gather [hbm4b:s12+s5], $0x80, v6, vm0, $0xb8;
	[tilespmem:$0x18880] =	vst v63  }
0xf5: {  	s22 =	simm.s32 $0x13880  }
0xf6: {  	[tilespmem:s22], [sflag:$0x5] =	stream.indirect_vreg.gather [hbm4b:s13+s5], $0x80, v6, vm0, $0xb8;
	[tilespmem:$0x18880] =	vst v63  }
0xf7: {  	s28 =	simm.s32 $0x14080  }
0xf8: {  	[tilespmem:s28], [sflag:$0x5] =	stream.indirect_vreg.gather [hbm4b:s14+s5], $0x80, v6, vm0, $0xb8;
	[tilespmem:$0x18880] =	vst v63  }
0xf9: {  	_ =	swait.ge [sflag:s23], $0x4000  }
0xfa: {  	[sflag:s23] =	ssyncset.done $0x0  }
0xfb: {  	s17 =	sor.u32 $0x8, s16;
	[sflag:s23] =	ssyncadd.s32 $0xFFFFC000  }
0xfc: {  	v7 =	vld [tilespmem:s17+$0x0];
	_ =	sdelay $0x4  }
0xfd: {  	vm2 =	vgt.s32 v7, $0xBFFF  }
0xfe: {  	vm2 =	vmand vm2, vm1  }
0xff: {  	v6 =	vsel vm2, $0x1, v3  }
0x100: {  	(xrf0) =	vadd.scan.msk.s32 $0xffff, v6;
	_ =	sdelay $0x5  }
0x101: {  	v8, _, _ =	vpop (xrf0)  }
0x102: {  	(v2sf) =	vpush v8, $0xF;
	_ =	sdelay $0xe  }
0x103: {  	s30 =	spop (v2sf)  }
0x104: {  	p1 =	slt.s32 s30, $0x1  }
.Ltmp5:
0x105: {  	_ = 	snop;
	(pc) =	sbr.rel @p1 .LBB2_10-.Ltmp5, $1  }
0x106: {  	_ =	sdelay $0x3  }
0x107: {  	v7 =	vadd.s32 $0xFFFF4000, v7  }
0x108: {  	v7 =	vand.u32 v4, v7  }
0x109: {  	v7 =	vxor.u32 v5, v7  }
.LBB2_9:
0x10a: {  	vm2 =	veq.s32 v6, $0x0  }
0x10b: {  	v8 =	vsel vm2, $0xC0000000, v7  }
0x10c: {  	(xrf0) =	vmin.scan.msk.u32 $0xffff, v8;
	_ =	sdelay $0x5  }
0x10d: {  	v8, _, _ =	vpop (xrf0)  }
0x10e: {  	(v2sf) =	vpush v8, $0xF;
	_ =	sdelay $0xe  }
0x10f: {  	s19 =	spop (v2sf)  }
0x110: {  	s21 =	sshll.u32 s19, $0xB  }
0x111: {  	s22 =	sshra.s32 s19, $0x9;
	s19 =	sshll.u32 s19, $0x7;
	s21 =	sand.u32 $0xFC000, s21  }
0x112: {  	s19 =	sand.u32 $0x380, s19;
	s28 =	sshll.u32 s22, $0x7;
	s30 =	sshll.u32 s22, $0xB  }
0x113: {  	s19 =	sor.u32 s19, s21;
	s21 =	sand.u32 $0x380, s28;
	s30 =	sand.u32 $0xFFFFC000, s30  }
0x114: {  	s19 =	sshrl.u32 s19, $0x3;
	s21 =	sor.u32 s21, s30  }
0x115: {  	s19 =	sadd.s32 s3, s19;
	s28 =	sadd.s32 $0x4880, s21  }
0x116: {  	[tilespmem:s28], [sflag:$0xD] =	stream.linear.gather [hbm4b:s19+s5], $0x80, $0x38;
	[tilespmem:$0x18880] =	vst v63  }
0x117: {  	s30 =	sadd.s32 $0x4C80, s21;
	s28 =	sadd.s32 $0x80, s19  }
0x118: {  	[tilespmem:s30], [sflag:$0xD] =	stream.linear.gather [hbm4b:s28+s5], $0x80, $0x38;
	[tilespmem:$0x18880] =	vst v63  }
0x119: {  	s28 =	sadd.s32 $0x100, s19;
	s30 =	sadd.s32 $0x5080, s21  }
0x11a: {  	[tilespmem:s30], [sflag:$0xD] =	stream.linear.gather [hbm4b:s28+s5], $0x80, $0x38;
	[tilespmem:$0x18880] =	vst v63  }
0x11b: {  	s28 =	sadd.s32 $0x180, s19;
	s30 =	sadd.s32 $0x5480, s21  }
0x11c: {  	[tilespmem:s30], [sflag:$0xD] =	stream.linear.gather [hbm4b:s28+s5], $0x80, $0x38;
	[tilespmem:$0x18880] =	vst v63  }
0x11d: {  	s28 =	sadd.s32 $0x200, s19;
	s30 =	sadd.s32 $0x5880, s21  }
0x11e: {  	[tilespmem:s30], [sflag:$0xD] =	stream.linear.gather [hbm4b:s28+s5], $0x80, $0x38;
	[tilespmem:$0x18880] =	vst v63  }
0x11f: {  	s28 =	sadd.s32 $0x280, s19;
	s30 =	sadd.s32 $0x5C80, s21  }
0x120: {  	[tilespmem:s30], [sflag:$0xD] =	stream.linear.gather [hbm4b:s28+s5], $0x80, $0x38;
	[tilespmem:$0x18880] =	vst v63  }
0x121: {  	s28 =	sadd.s32 $0x300, s19;
	s30 =	sadd.s32 $0x6080, s21  }
0x122: {  	[tilespmem:s30], [sflag:$0xD] =	stream.linear.gather [hbm4b:s28+s5], $0x80, $0x38;
	[tilespmem:$0x18880] =	vst v63  }
0x123: {  	s28 =	sadd.s32 $0x380, s19;
	s30 =	sadd.s32 $0x6480, s21  }
0x124: {  	[tilespmem:s30], [sflag:$0xD] =	stream.linear.gather [hbm4b:s28+s5], $0x80, $0x38;
	[tilespmem:$0x18880] =	vst v63  }
0x125: {  	s28 =	sadd.s32 $0x400, s19;
	s30 =	sadd.s32 $0x6880, s21  }
0x126: {  	[tilespmem:s30], [sflag:$0xD] =	stream.linear.gather [hbm4b:s28+s5], $0x80, $0x38;
	[tilespmem:$0x18880] =	vst v63  }
0x127: {  	s28 =	sadd.s32 $0x480, s19;
	s30 =	sadd.s32 $0x6C80, s21  }
0x128: {  	[tilespmem:s30], [sflag:$0xD] =	stream.linear.gather [hbm4b:s28+s5], $0x80, $0x38;
	[tilespmem:$0x18880] =	vst v63  }
0x129: {  	s28 =	sadd.s32 $0x500, s19;
	s30 =	sadd.s32 $0x7080, s21  }
0x12a: {  	[tilespmem:s30], [sflag:$0xD] =	stream.linear.gather [hbm4b:s28+s5], $0x80, $0x38;
	[tilespmem:$0x18880] =	vst v63  }
0x12b: {  	s28 =	sadd.s32 $0x580, s19;
	s30 =	sadd.s32 $0x7480, s21  }
0x12c: {  	[tilespmem:s30], [sflag:$0xD] =	stream.linear.gather [hbm4b:s28+s5], $0x80, $0x38;
	[tilespmem:$0x18880] =	vst v63  }
0x12d: {  	s28 =	sadd.s32 $0x600, s19;
	s30 =	sadd.s32 $0x7880, s21  }
0x12e: {  	[tilespmem:s30], [sflag:$0xD] =	stream.linear.gather [hbm4b:s28+s5], $0x80, $0x38;
	[tilespmem:$0x18880] =	vst v63  }
0x12f: {  	s28 =	sadd.s32 $0x680, s19;
	s30 =	sadd.s32 $0x7C80, s21  }
0x130: {  	[tilespmem:s30], [sflag:$0xD] =	stream.linear.gather [hbm4b:s28+s5], $0x80, $0x38;
	[tilespmem:$0x18880] =	vst v63  }
0x131: {  	s22 =	sxor.u32 $0xFFC00000, s22;
	s28 =	sadd.s32 $0x700, s19;
	s30 =	sadd.s32 $0x8080, s21  }
0x132: {  	[tilespmem:s30], [sflag:$0xD] =	stream.linear.gather [hbm4b:s28+s5], $0x80, $0x38;
	[tilespmem:$0x18880] =	vst v63  }
0x133: {  	v8 =	vmov s22;
	s19 =	sadd.s32 $0x780, s19;
	s21 =	sadd.s32 $0x8480, s21  }
0x134: {  	vm2 =	veq.s32 v8, v0;
	[tilespmem:s21], [sflag:$0xD] =	stream.linear.gather [hbm4b:s19+s5], $0x80, $0x38;
	[tilespmem:$0x18880] =	vst v63  }
0x135: {  	v6 =	vsel vm2, $0x0, v6;
	_ =	swait.ge [sflag:s18], $0x800  }
0x136: {  	(xrf0) =	vadd.scan.msk.s32 $0xffff, v6;
	_ =	sdelay $0x5  }
0x137: {  	v8, _, _ =	vpop (xrf0)  }
0x138: {  	(v2sf) =	vpush v8, $0xF;
	_ =	sdelay $0xe  }
0x139: {  	s30 =	spop (v2sf)  }
0x13a: {  	p1 =	sgt.s32 s30, $0x0  }
.Ltmp6:
0x13b: {  	_ = 	snop;
	(pc) =	sbr.rel @p1 .LBB2_9-.Ltmp6, $3  }
0x13c: {  	_ =	sdelay $0x1  }
0x13d: {  	[sflag:s18] =	ssyncset.done $0x0  }
0x13e: {  	[sflag:s18] =	ssyncadd.s32 $0xFFFFF800  }
.LBB2_10:
0x13f: {  	s17 =	sadd.s32 s6, s17  }
0x140: {  	s17 =	sshll.u32 s17, $0x8  }
0x141: {  	s19 =	simm.s32 $0x4880;
	s17 =	sadd.s32 s4, s17  }
0x142: {  	[hbm4b:s17+s5] =	stream.linear.scatter [tilespmem:s19], [sflag:$0x8], $0x4000, $0x38;
	[tilespmem:$0x18880] =	vst v63  }
0x143: {  	s17 =	simm.s32 @!p0 $0xC  }
0x144: {  	s15 =	sadd.s32 $0x5, s15;
	_ =	swait.ge @!p0 [sflag:s17], $0x4000  }
0x145: {  	s15 =	sshll.u32 s15, $0x3;
	[sflag:s17] =	ssyncset.done @!p0 $0x0  }
0x146: {  	s30 =	sand.u32 $0x3FFFFFF8, s15;
	[sflag:s17] =	ssyncadd.s32 @!p0 $0xFFFFC000  }
0x147: {  	v6 =	vld.msk [tilespmem:s30+$0x480], $0xff;
	_ =	sdelay $0x4  }
0x148: {  	v7 =	vshll.u32 v6, $0x4  }
0x149: {  	v6 =	vand.u32 $0x7, v6;
	v7 =	vand.u32 $0xFFFFFF80, v7  }
0x14a: {  	v6 =	vor.u32 v6, v7  }
0x14b: {  	v6 =	vperm.xlane v6, v1;
	_ =	sdelay $0x1  }
0x14c: {  	v6 =	vadd.s32 v2, v6;
	_ =	sdelay $0x3  }
0x14d: {  	s19 =	simm.s32 $0x14880  }
0x14e: {  	[tilespmem:s19], [sflag:$0x6] =	stream.indirect_vreg.gather [hbm4b:s2+s5], $0x80, v6, vm0, $0xb8;
	[tilespmem:$0x18880] =	vst v63  }
0x14f: {  	s21 =	simm.s32 $0x15080  }
0x150: {  	[tilespmem:s21], [sflag:$0x6] =	stream.indirect_vreg.gather [hbm4b:s8+s5], $0x80, v6, vm0, $0xb8;
	[tilespmem:$0x18880] =	vst v63  }
0x151: {  	s22 =	simm.s32 $0x15880  }
0x152: {  	[tilespmem:s22], [sflag:$0x6] =	stream.indirect_vreg.gather [hbm4b:s9+s5], $0x80, v6, vm0, $0xb8;
	[tilespmem:$0x18880] =	vst v63  }
0x153: {  	s28 =	simm.s32 $0x16080  }
0x154: {  	[tilespmem:s28], [sflag:$0x6] =	stream.indirect_vreg.gather [hbm4b:s10+s5], $0x80, v6, vm0, $0xb8;
	[tilespmem:$0x18880] =	vst v63  }
0x155: {  	s30 =	simm.s32 $0x16880  }
0x156: {  	[tilespmem:s30], [sflag:$0x6] =	stream.indirect_vreg.gather [hbm4b:s11+s5], $0x80, v6, vm0, $0xb8;
	[tilespmem:$0x18880] =	vst v63  }
0x157: {  	s19 =	simm.s32 $0x17080  }
0x158: {  	[tilespmem:s19], [sflag:$0x6] =	stream.indirect_vreg.gather [hbm4b:s12+s5], $0x80, v6, vm0, $0xb8;
	[tilespmem:$0x18880] =	vst v63  }
0x159: {  	s21 =	simm.s32 $0x17880  }
0x15a: {  	[tilespmem:s21], [sflag:$0x6] =	stream.indirect_vreg.gather [hbm4b:s13+s5], $0x80, v6, vm0, $0xb8;
	[tilespmem:$0x18880] =	vst v63  }
0x15b: {  	s22 =	simm.s32 $0x18080;
	s28 =	simm.s32 $0x3  }
0x15c: {  	[tilespmem:s22], [sflag:$0x6] =	stream.indirect_vreg.gather [hbm4b:s14+s5], $0x80, v6, vm0, $0xb8;
	[tilespmem:$0x18880] =	vst v63  }
0x15d: {  	_ =	swait.ge [sflag:s28], $0x4000  }
0x15e: {  	[sflag:s28] =	ssyncset.done $0x0  }
0x15f: {  	[sflag:s28] =	ssyncadd.s32 $0xFFFFC000  }
0x160: {  	v7 =	vld [tilespmem:s16+$0x10];
	_ =	sdelay $0x4  }
0x161: {  	vm2 =	vgt.s32 v7, $0xBFFF  }
0x162: {  	vm2 =	vmand vm2, vm1  }
0x163: {  	v6 =	vsel vm2, $0x1, v3  }
0x164: {  	(xrf0) =	vadd.scan.msk.s32 $0xffff, v6;
	_ =	sdelay $0x5  }
0x165: {  	v8, _, _ =	vpop (xrf0)  }
0x166: {  	(v2sf) =	vpush v8, $0xF;
	_ =	sdelay $0xe  }
0x167: {  	s30 =	spop (v2sf)  }
0x168: {  	p0 =	slt.s32 s30, $0x1  }
.Ltmp7:
0x169: {  	_ = 	snop;
	(pc) =	sbr.rel @p0 .LBB2_13-.Ltmp7, $2  }
0x16a: {  	_ =	sdelay $0x2  }
0x16b: {  	s17 =	sadd.s32 $0x10, s16  }
0x16c: {  	v7 =	vadd.s32 $0xFFFF4000, v7  }
0x16d: {  	v7 =	vand.u32 v4, v7  }
0x16e: {  	v7 =	vxor.u32 v5, v7  }
.LBB2_12:
0x16f: {  	vm2 =	veq.s32 v6, $0x0  }
0x170: {  	v8 =	vsel vm2, $0xC0000000, v7  }
0x171: {  	(xrf0) =	vmin.scan.msk.u32 $0xffff, v8;
	_ =	sdelay $0x5  }
0x172: {  	v8, _, _ =	vpop (xrf0)  }
0x173: {  	(v2sf) =	vpush v8, $0xF;
	_ =	sdelay $0xe  }
0x174: {  	s19 =	spop (v2sf)  }
0x175: {  	s21 =	sshll.u32 s19, $0xB  }
0x176: {  	s22 =	sshra.s32 s19, $0x9;
	s19 =	sshll.u32 s19, $0x7;
	s21 =	sand.u32 $0xFC000, s21  }
0x177: {  	s19 =	sand.u32 $0x380, s19;
	s28 =	sshll.u32 s22, $0x7;
	s30 =	sshll.u32 s22, $0xB  }
0x178: {  	s19 =	sor.u32 s19, s21;
	s21 =	sand.u32 $0x380, s28;
	s30 =	sand.u32 $0xFFFFC000, s30  }
0x179: {  	s19 =	sshrl.u32 s19, $0x3;
	s21 =	sor.u32 s21, s30  }
0x17a: {  	s19 =	sadd.s32 s3, s19;
	s28 =	sadd.s32 $0x8880, s21  }
0x17b: {  	[tilespmem:s28], [sflag:$0xD] =	stream.linear.gather [hbm4b:s19+s5], $0x80, $0x38;
	[tilespmem:$0x18880] =	vst v63  }
0x17c: {  	s30 =	sadd.s32 $0x8C80, s21;
	s28 =	sadd.s32 $0x80, s19  }
0x17d: {  	[tilespmem:s30], [sflag:$0xD] =	stream.linear.gather [hbm4b:s28+s5], $0x80, $0x38;
	[tilespmem:$0x18880] =	vst v63  }
0x17e: {  	s28 =	sadd.s32 $0x100, s19;
	s30 =	sadd.s32 $0x9080, s21  }
0x17f: {  	[tilespmem:s30], [sflag:$0xD] =	stream.linear.gather [hbm4b:s28+s5], $0x80, $0x38;
	[tilespmem:$0x18880] =	vst v63  }
0x180: {  	s28 =	sadd.s32 $0x180, s19;
	s30 =	sadd.s32 $0x9480, s21  }
0x181: {  	[tilespmem:s30], [sflag:$0xD] =	stream.linear.gather [hbm4b:s28+s5], $0x80, $0x38;
	[tilespmem:$0x18880] =	vst v63  }
0x182: {  	s28 =	sadd.s32 $0x200, s19;
	s30 =	sadd.s32 $0x9880, s21  }
0x183: {  	[tilespmem:s30], [sflag:$0xD] =	stream.linear.gather [hbm4b:s28+s5], $0x80, $0x38;
	[tilespmem:$0x18880] =	vst v63  }
0x184: {  	s28 =	sadd.s32 $0x280, s19;
	s30 =	sadd.s32 $0x9C80, s21  }
0x185: {  	[tilespmem:s30], [sflag:$0xD] =	stream.linear.gather [hbm4b:s28+s5], $0x80, $0x38;
	[tilespmem:$0x18880] =	vst v63  }
0x186: {  	s28 =	sadd.s32 $0x300, s19;
	s30 =	sadd.s32 $0xA080, s21  }
0x187: {  	[tilespmem:s30], [sflag:$0xD] =	stream.linear.gather [hbm4b:s28+s5], $0x80, $0x38;
	[tilespmem:$0x18880] =	vst v63  }
0x188: {  	s28 =	sadd.s32 $0x380, s19;
	s30 =	sadd.s32 $0xA480, s21  }
0x189: {  	[tilespmem:s30], [sflag:$0xD] =	stream.linear.gather [hbm4b:s28+s5], $0x80, $0x38;
	[tilespmem:$0x18880] =	vst v63  }
0x18a: {  	s28 =	sadd.s32 $0x400, s19;
	s30 =	sadd.s32 $0xA880, s21  }
0x18b: {  	[tilespmem:s30], [sflag:$0xD] =	stream.linear.gather [hbm4b:s28+s5], $0x80, $0x38;
	[tilespmem:$0x18880] =	vst v63  }
0x18c: {  	s28 =	sadd.s32 $0x480, s19;
	s30 =	sadd.s32 $0xAC80, s21  }
0x18d: {  	[tilespmem:s30], [sflag:$0xD] =	stream.linear.gather [hbm4b:s28+s5], $0x80, $0x38;
	[tilespmem:$0x18880] =	vst v63  }
0x18e: {  	s28 =	sadd.s32 $0x500, s19;
	s30 =	sadd.s32 $0xB080, s21  }
0x18f: {  	[tilespmem:s30], [sflag:$0xD] =	stream.linear.gather [hbm4b:s28+s5], $0x80, $0x38;
	[tilespmem:$0x18880] =	vst v63  }
0x190: {  	s28 =	sadd.s32 $0x580, s19;
	s30 =	sadd.s32 $0xB480, s21  }
0x191: {  	[tilespmem:s30], [sflag:$0xD] =	stream.linear.gather [hbm4b:s28+s5], $0x80, $0x38;
	[tilespmem:$0x18880] =	vst v63  }
0x192: {  	s28 =	sadd.s32 $0x600, s19;
	s30 =	sadd.s32 $0xB880, s21  }
0x193: {  	[tilespmem:s30], [sflag:$0xD] =	stream.linear.gather [hbm4b:s28+s5], $0x80, $0x38;
	[tilespmem:$0x18880] =	vst v63  }
0x194: {  	s28 =	sadd.s32 $0x680, s19;
	s30 =	sadd.s32 $0xBC80, s21  }
0x195: {  	[tilespmem:s30], [sflag:$0xD] =	stream.linear.gather [hbm4b:s28+s5], $0x80, $0x38;
	[tilespmem:$0x18880] =	vst v63  }
0x196: {  	s22 =	sxor.u32 $0xFFC00000, s22;
	s28 =	sadd.s32 $0x700, s19;
	s30 =	sadd.s32 $0xC080, s21  }
0x197: {  	[tilespmem:s30], [sflag:$0xD] =	stream.linear.gather [hbm4b:s28+s5], $0x80, $0x38;
	[tilespmem:$0x18880] =	vst v63  }
0x198: {  	v8 =	vmov s22;
	s19 =	sadd.s32 $0x780, s19;
	s21 =	sadd.s32 $0xC480, s21  }
0x199: {  	vm2 =	veq.s32 v8, v0;
	[tilespmem:s21], [sflag:$0xD] =	stream.linear.gather [hbm4b:s19+s5], $0x80, $0x38;
	[tilespmem:$0x18880] =	vst v63  }
0x19a: {  	v6 =	vsel vm2, $0x0, v6;
	_ =	swait.ge [sflag:s18], $0x800  }
0x19b: {  	(xrf0) =	vadd.scan.msk.s32 $0xffff, v6;
	_ =	sdelay $0x5  }
0x19c: {  	v8, _, _ =	vpop (xrf0)  }
0x19d: {  	(v2sf) =	vpush v8, $0xF;
	_ =	sdelay $0xe  }
0x19e: {  	s30 =	spop (v2sf)  }
0x19f: {  	p0 =	sgt.s32 s30, $0x0  }
.Ltmp8:
0x1a0: {  	_ = 	snop;
	(pc) =	sbr.rel @p0 .LBB2_12-.Ltmp8, $3  }
0x1a1: {  	_ =	sdelay $0x1  }
0x1a2: {  	[sflag:s18] =	ssyncset.done $0x0  }
0x1a3: {  	[sflag:s18] =	ssyncadd.s32 $0xFFFFF800  }
.LBB2_13:
0x1a4: {  	s17 =	sadd.s32 s6, s17  }
0x1a5: {  	s17 =	sshll.u32 s17, $0x8  }
0x1a6: {  	s19 =	simm.s32 $0x8880;
	s17 =	sadd.s32 s4, s17  }
0x1a7: {  	[hbm4b:s17+s5] =	stream.linear.scatter [tilespmem:s19], [sflag:$0x9], $0x4000, $0x38;
	[tilespmem:$0x18880] =	vst v63  }
0x1a8: {  	s21 =	smul.u32 $0xC0, s7;
	_ =	swait.ge [sflag:s31], $0x4000  }
0x1a9: {  	[sflag:s31] =	ssyncset.done $0x0  }
0x1aa: {  	s17 =	sshra.s32 s21, $0x2;
	[sflag:s31] =	ssyncadd.s32 $0xFFFFC000  }
0x1ab: {  	v6 =	vld.msk [tilespmem:s17+$0x4B0], $0xff;
	_ =	sdelay $0x4  }
0x1ac: {  	v7 =	vshll.u32 v6, $0x4  }
0x1ad: {  	v6 =	vand.u32 $0x7, v6;
	v7 =	vand.u32 $0xFFFFFF80, v7  }
0x1ae: {  	v6 =	vor.u32 v6, v7  }
0x1af: {  	v6 =	vperm.xlane v6, v1;
	_ =	sdelay $0x1  }
0x1b0: {  	v6 =	vadd.s32 v2, v6;
	_ =	sdelay $0x4  }
0x1b1: {  	[tilespmem:s24], [sflag:$0x1] =	stream.indirect_vreg.gather [hbm4b:s2+s5], $0x80, v6, vm0, $0xb8;
	[tilespmem:$0x18880] =	vst v63  }
0x1b2: {  	s22 =	simm.s32 $0x1080  }
0x1b3: {  	[tilespmem:s22], [sflag:$0x1] =	stream.indirect_vreg.gather [hbm4b:s8+s5], $0x80, v6, vm0, $0xb8;
	[tilespmem:$0x18880] =	vst v63  }
0x1b4: {  	s24 =	simm.s32 $0x1880  }
0x1b5: {  	[tilespmem:s24], [sflag:$0x1] =	stream.indirect_vreg.gather [hbm4b:s9+s5], $0x80, v6, vm0, $0xb8;
	[tilespmem:$0x18880] =	vst v63  }
0x1b6: {  	s28 =	simm.s32 $0x2080  }
0x1b7: {  	[tilespmem:s28], [sflag:$0x1] =	stream.indirect_vreg.gather [hbm4b:s10+s5], $0x80, v6, vm0, $0xb8;
	[tilespmem:$0x18880] =	vst v63  }
0x1b8: {  	s30 =	simm.s32 $0x2880  }
0x1b9: {  	[tilespmem:s30], [sflag:$0x1] =	stream.indirect_vreg.gather [hbm4b:s11+s5], $0x80, v6, vm0, $0xb8;
	[tilespmem:$0x18880] =	vst v63  }
0x1ba: {  	s21 =	simm.s32 $0x3080  }
0x1bb: {  	[tilespmem:s21], [sflag:$0x1] =	stream.indirect_vreg.gather [hbm4b:s12+s5], $0x80, v6, vm0, $0xb8;
	[tilespmem:$0x18880] =	vst v63  }
0x1bc: {  	s22 =	simm.s32 $0x3880  }
0x1bd: {  	[tilespmem:s22], [sflag:$0x1] =	stream.indirect_vreg.gather [hbm4b:s13+s5], $0x80, v6, vm0, $0xb8;
	[tilespmem:$0x18880] =	vst v63  }
0x1be: {  	s24 =	simm.s32 $0x4080;
	s28 =	simm.s32 $0x4  }
0x1bf: {  	[tilespmem:s24], [sflag:$0x1] =	stream.indirect_vreg.gather [hbm4b:s14+s5], $0x80, v6, vm0, $0xb8;
	[tilespmem:$0x18880] =	vst v63  }
0x1c0: {  	_ =	swait.ge [sflag:s28], $0x4000  }
0x1c1: {  	[sflag:s28] =	ssyncset.done $0x0  }
0x1c2: {  	[sflag:s28] =	ssyncadd.s32 $0xFFFFC000  }
0x1c3: {  	v7 =	vld [tilespmem:s16+$0x18];
	_ =	sdelay $0x4  }
0x1c4: {  	vm2 =	vgt.s32 v7, $0xBFFF  }
0x1c5: {  	vm2 =	vmand vm2, vm1  }
0x1c6: {  	v6 =	vsel vm2, $0x1, v3  }
0x1c7: {  	(xrf0) =	vadd.scan.msk.s32 $0xffff, v6;
	_ =	sdelay $0x5  }
0x1c8: {  	v8, _, _ =	vpop (xrf0)  }
0x1c9: {  	(v2sf) =	vpush v8, $0xF;
	_ =	sdelay $0xe  }
0x1ca: {  	s30 =	spop (v2sf)  }
0x1cb: {  	p0 =	slt.s32 s30, $0x1  }
.Ltmp9:
0x1cc: {  	_ = 	snop;
	(pc) =	sbr.rel @p0 .LBB2_16-.Ltmp9, $2  }
0x1cd: {  	_ =	sdelay $0x2  }
0x1ce: {  	s16 =	sadd.s32 $0x18, s16  }
0x1cf: {  	v7 =	vadd.s32 $0xFFFF4000, v7  }
0x1d0: {  	v7 =	vand.u32 v4, v7  }
0x1d1: {  	v7 =	vxor.u32 v5, v7  }
.LBB2_15:
0x1d2: {  	vm2 =	veq.s32 v6, $0x0  }
0x1d3: {  	v8 =	vsel vm2, $0xC0000000, v7  }
0x1d4: {  	(xrf0) =	vmin.scan.msk.u32 $0xffff, v8;
	_ =	sdelay $0x5  }
0x1d5: {  	v8, _, _ =	vpop (xrf0)  }
0x1d6: {  	(v2sf) =	vpush v8, $0xF;
	_ =	sdelay $0xe  }
0x1d7: {  	s19 =	spop (v2sf)  }
0x1d8: {  	s21 =	sshll.u32 s19, $0xB  }
0x1d9: {  	s22 =	sshra.s32 s19, $0x9;
	s19 =	sshll.u32 s19, $0x7;
	s21 =	sand.u32 $0xFC000, s21  }
0x1da: {  	s19 =	sand.u32 $0x380, s19;
	s28 =	sshll.u32 s22, $0x7;
	s30 =	sshll.u32 s22, $0xB  }
0x1db: {  	s19 =	sor.u32 s19, s21;
	s21 =	sand.u32 $0x380, s28;
	s24 =	sand.u32 $0xFFFFC000, s30  }
0x1dc: {  	s19 =	sshrl.u32 s19, $0x3;
	s21 =	sor.u32 s21, s24  }
0x1dd: {  	s19 =	sadd.s32 s3, s19;
	s28 =	sadd.s32 $0xC880, s21  }
0x1de: {  	[tilespmem:s28], [sflag:$0xD] =	stream.linear.gather [hbm4b:s19+s5], $0x80, $0x38;
	[tilespmem:$0x18880] =	vst v63  }
0x1df: {  	s24 =	sadd.s32 $0xCC80, s21;
	s30 =	sadd.s32 $0x80, s19  }
0x1e0: {  	[tilespmem:s24], [sflag:$0xD] =	stream.linear.gather [hbm4b:s30+s5], $0x80, $0x38;
	[tilespmem:$0x18880] =	vst v63  }
0x1e1: {  	s24 =	sadd.s32 $0x100, s19;
	s30 =	sadd.s32 $0xD080, s21  }
0x1e2: {  	[tilespmem:s30], [sflag:$0xD] =	stream.linear.gather [hbm4b:s24+s5], $0x80, $0x38;
	[tilespmem:$0x18880] =	vst v63  }
0x1e3: {  	s24 =	sadd.s32 $0x180, s19;
	s30 =	sadd.s32 $0xD480, s21  }
0x1e4: {  	[tilespmem:s30], [sflag:$0xD] =	stream.linear.gather [hbm4b:s24+s5], $0x80, $0x38;
	[tilespmem:$0x18880] =	vst v63  }
0x1e5: {  	s24 =	sadd.s32 $0x200, s19;
	s30 =	sadd.s32 $0xD880, s21  }
0x1e6: {  	[tilespmem:s30], [sflag:$0xD] =	stream.linear.gather [hbm4b:s24+s5], $0x80, $0x38;
	[tilespmem:$0x18880] =	vst v63  }
0x1e7: {  	s24 =	sadd.s32 $0x280, s19;
	s30 =	sadd.s32 $0xDC80, s21  }
0x1e8: {  	[tilespmem:s30], [sflag:$0xD] =	stream.linear.gather [hbm4b:s24+s5], $0x80, $0x38;
	[tilespmem:$0x18880] =	vst v63  }
0x1e9: {  	s24 =	sadd.s32 $0x300, s19;
	s30 =	sadd.s32 $0xE080, s21  }
0x1ea: {  	[tilespmem:s30], [sflag:$0xD] =	stream.linear.gather [hbm4b:s24+s5], $0x80, $0x38;
	[tilespmem:$0x18880] =	vst v63  }
0x1eb: {  	s24 =	sadd.s32 $0x380, s19;
	s30 =	sadd.s32 $0xE480, s21  }
0x1ec: {  	[tilespmem:s30], [sflag:$0xD] =	stream.linear.gather [hbm4b:s24+s5], $0x80, $0x38;
	[tilespmem:$0x18880] =	vst v63  }
0x1ed: {  	s24 =	sadd.s32 $0x400, s19;
	s30 =	sadd.s32 $0xE880, s21  }
0x1ee: {  	[tilespmem:s30], [sflag:$0xD] =	stream.linear.gather [hbm4b:s24+s5], $0x80, $0x38;
	[tilespmem:$0x18880] =	vst v63  }
0x1ef: {  	s24 =	sadd.s32 $0x480, s19;
	s30 =	sadd.s32 $0xEC80, s21  }
0x1f0: {  	[tilespmem:s30], [sflag:$0xD] =	stream.linear.gather [hbm4b:s24+s5], $0x80, $0x38;
	[tilespmem:$0x18880] =	vst v63  }
0x1f1: {  	s24 =	sadd.s32 $0x500, s19;
	s30 =	sadd.s32 $0xF080, s21  }
0x1f2: {  	[tilespmem:s30], [sflag:$0xD] =	stream.linear.gather [hbm4b:s24+s5], $0x80, $0x38;
	[tilespmem:$0x18880] =	vst v63  }
0x1f3: {  	s24 =	sadd.s32 $0x580, s19;
	s30 =	sadd.s32 $0xF480, s21  }
0x1f4: {  	[tilespmem:s30], [sflag:$0xD] =	stream.linear.gather [hbm4b:s24+s5], $0x80, $0x38;
	[tilespmem:$0x18880] =	vst v63  }
0x1f5: {  	s24 =	sadd.s32 $0x600, s19;
	s30 =	sadd.s32 $0xF880, s21  }
0x1f6: {  	[tilespmem:s30], [sflag:$0xD] =	stream.linear.gather [hbm4b:s24+s5], $0x80, $0x38;
	[tilespmem:$0x18880] =	vst v63  }
0x1f7: {  	s21 =	sadd.s32 $0xFC80, s21;
	s30 =	sadd.s32 $0x680, s19  }
0x1f8: {  	[tilespmem:s21], [sflag:$0xD] =	stream.linear.gather [hbm4b:s30+s5], $0x80, $0x38;
	[tilespmem:$0x18880] =	vst v63  }
0x1f9: {  	s24 =	sadd.s32 $0x700, s19;
	s30 =	sadd.s32 $0x3800, s28  }
0x1fa: {  	[tilespmem:s30], [sflag:$0xD] =	stream.linear.gather [hbm4b:s24+s5], $0x80, $0x38;
	[tilespmem:$0x18880] =	vst v63  }
0x1fb: {  	s24 =	sxor.u32 $0xFFC00000, s22  }
0x1fc: {  	s19 =	sadd.s32 $0x780, s19;
	s28 =	sadd.s32 $0x3C00, s28;
	v8 =	vmov s24  }
0x1fd: {  	[tilespmem:s28], [sflag:$0xD] =	stream.linear.gather [hbm4b:s19+s5], $0x80, $0x38;
	vm2 =	veq.s32 v8, v0;
	[tilespmem:$0x18880] =	vst v63  }
0x1fe: {  	_ =	swait.ge [sflag:s18], $0x800;
	v6 =	vsel vm2, $0x0, v6  }
0x1ff: {  	(xrf0) =	vadd.scan.msk.s32 $0xffff, v6;
	_ =	sdelay $0x5  }
0x200: {  	v8, _, _ =	vpop (xrf0)  }
0x201: {  	(v2sf) =	vpush v8, $0xF;
	_ =	sdelay $0xe  }
0x202: {  	s30 =	spop (v2sf)  }
0x203: {  	p0 =	sgt.s32 s30, $0x0  }
.Ltmp10:
0x204: {  	_ = 	snop;
	(pc) =	sbr.rel @p0 .LBB2_15-.Ltmp10, $3  }
0x205: {  	_ =	sdelay $0x1  }
0x206: {  	[sflag:s18] =	ssyncset.done $0x0  }
0x207: {  	[sflag:s18] =	ssyncadd.s32 $0xFFFFF800  }
.LBB2_16:
0x208: {  	s16 =	sadd.s32 s6, s16  }
0x209: {  	s16 =	sshll.u32 s16, $0x8  }
0x20a: {  	s28 =	simm.s32 $0xC880;
	s16 =	sadd.s32 s4, s16  }
0x20b: {  	[hbm4b:s16+s5] =	stream.linear.scatter [tilespmem:s28], [sflag:$0xA], $0x4000, $0x38;
	[tilespmem:$0x18880] =	vst v63  }
0x20c: {  	_ =	swait.ge [sflag:s0], $0x4000  }
0x20d: {  	[sflag:s0] =	ssyncset.done $0x0  }
0x20e: {  	[sflag:s0] =	ssyncadd.s32 $0xFFFFC000  }
0x20f: {  	v6 =	vld.msk [tilespmem:s17+$0x4B8], $0xff;
	_ =	sdelay $0x4  }
0x210: {  	v7 =	vshll.u32 v6, $0x4  }
0x211: {  	v6 =	vand.u32 $0x7, v6;
	v7 =	vand.u32 $0xFFFFFF80, v7  }
0x212: {  	v6 =	vor.u32 v6, v7  }
0x213: {  	v6 =	vperm.xlane v6, v1;
	_ =	sdelay $0x1  }
0x214: {  	v6 =	vadd.s32 v2, v6;
	_ =	sdelay $0x3  }
0x215: {  	s21 =	simm.s32 $0x4880  }
0x216: {  	[tilespmem:s21], [sflag:$0x2] =	stream.indirect_vreg.gather [hbm4b:s2+s5], $0x80, v6, vm0, $0xb8;
	[tilespmem:$0x18880] =	vst v63  }
0x217: {  	s22 =	simm.s32 $0x5080  }
0x218: {  	[tilespmem:s22], [sflag:$0x2] =	stream.indirect_vreg.gather [hbm4b:s8+s5], $0x80, v6, vm0, $0xb8;
	[tilespmem:$0x18880] =	vst v63  }
0x219: {  	s24 =	simm.s32 $0x5880  }
0x21a: {  	[tilespmem:s24], [sflag:$0x2] =	stream.indirect_vreg.gather [hbm4b:s9+s5], $0x80, v6, vm0, $0xb8;
	[tilespmem:$0x18880] =	vst v63  }
0x21b: {  	s30 =	simm.s32 $0x6080  }
0x21c: {  	[tilespmem:s30], [sflag:$0x2] =	stream.indirect_vreg.gather [hbm4b:s10+s5], $0x80, v6, vm0, $0xb8;
	[tilespmem:$0x18880] =	vst v63  }
0x21d: {  	s19 =	simm.s32 $0x6880  }
0x21e: {  	[tilespmem:s19], [sflag:$0x2] =	stream.indirect_vreg.gather [hbm4b:s11+s5], $0x80, v6, vm0, $0xb8;
	[tilespmem:$0x18880] =	vst v63  }
0x21f: {  	s21 =	simm.s32 $0x7080  }
0x220: {  	[tilespmem:s21], [sflag:$0x2] =	stream.indirect_vreg.gather [hbm4b:s12+s5], $0x80, v6, vm0, $0xb8;
	[tilespmem:$0x18880] =	vst v63  }
0x221: {  	s22 =	simm.s32 $0x7880  }
0x222: {  	[tilespmem:s22], [sflag:$0x2] =	stream.indirect_vreg.gather [hbm4b:s13+s5], $0x80, v6, vm0, $0xb8;
	[tilespmem:$0x18880] =	vst v63  }
0x223: {  	s24 =	simm.s32 $0x8080  }
0x224: {  	[tilespmem:s24], [sflag:$0x2] =	stream.indirect_vreg.gather [hbm4b:s14+s5], $0x80, v6, vm0, $0xb8;
	[tilespmem:$0x18880] =	vst v63  }
0x225: {  	_ =	swait.ge [sflag:s25], $0x4000  }
0x226: {  	[sflag:s25] =	ssyncset.done $0x0  }
0x227: {  	[sflag:s25] =	ssyncadd.s32 $0xFFFFC000  }
0x228: {  	v7 =	vld [tilespmem:s26+$0x0];
	_ =	sdelay $0x4  }
0x229: {  	vm2 =	vgt.s32 v7, $0xBFFF  }
0x22a: {  	vm2 =	vmand vm2, vm1  }
0x22b: {  	v6 =	vsel vm2, $0x1, v3  }
0x22c: {  	(xrf0) =	vadd.scan.msk.s32 $0xffff, v6;
	_ =	sdelay $0x5  }
0x22d: {  	v8, _, _ =	vpop (xrf0)  }
0x22e: {  	(v2sf) =	vpush v8, $0xF;
	_ =	sdelay $0xe  }
0x22f: {  	s30 =	spop (v2sf)  }
0x230: {  	p0 =	slt.s32 s30, $0x1  }
.Ltmp11:
0x231: {  	_ = 	snop;
	(pc) =	sbr.rel @p0 .LBB2_19-.Ltmp11, $1  }
0x232: {  	_ =	sdelay $0x3  }
0x233: {  	v7 =	vadd.s32 $0xFFFF4000, v7  }
0x234: {  	v7 =	vand.u32 v4, v7  }
0x235: {  	v7 =	vxor.u32 v5, v7  }
.LBB2_18:
0x236: {  	vm2 =	veq.s32 v6, $0x0  }
0x237: {  	v8 =	vsel vm2, $0xC0000000, v7  }
0x238: {  	(xrf0) =	vmin.scan.msk.u32 $0xffff, v8;
	_ =	sdelay $0x5  }
0x239: {  	v8, _, _ =	vpop (xrf0)  }
0x23a: {  	(v2sf) =	vpush v8, $0xF;
	_ =	sdelay $0xe  }
0x23b: {  	s16 =	spop (v2sf)  }
0x23c: {  	s19 =	sshll.u32 s16, $0xB  }
0x23d: {  	s21 =	sshra.s32 s16, $0x9;
	s16 =	sshll.u32 s16, $0x7;
	s19 =	sand.u32 $0xFC000, s19  }
0x23e: {  	s16 =	sand.u32 $0x380, s16;
	s22 =	sshll.u32 s21, $0x7;
	s24 =	sshll.u32 s21, $0xB  }
0x23f: {  	s16 =	sor.u32 s16, s19;
	s22 =	sand.u32 $0x380, s22;
	s30 =	sand.u32 $0xFFFFC000, s24  }
0x240: {  	s16 =	sshrl.u32 s16, $0x3;
	s19 =	sor.u32 s22, s30  }
0x241: {  	s16 =	sadd.s32 s3, s16;
	s19 =	sadd.s32 $0x10880, s19  }
0x242: {  	[tilespmem:s19], [sflag:$0xD] =	stream.linear.gather [hbm4b:s16+s5], $0x80, $0x38;
	[tilespmem:$0x18880] =	vst v63  }
0x243: {  	s24 =	sadd.s32 $0x80, s16;
	s30 =	sadd.s32 $0x400, s19  }
0x244: {  	[tilespmem:s30], [sflag:$0xD] =	stream.linear.gather [hbm4b:s24+s5], $0x80, $0x38;
	[tilespmem:$0x18880] =	vst v63  }
0x245: {  	s24 =	sadd.s32 $0x100, s16;
	s30 =	sadd.s32 $0x800, s19  }
0x246: {  	[tilespmem:s30], [sflag:$0xD] =	stream.linear.gather [hbm4b:s24+s5], $0x80, $0x38;
	[tilespmem:$0x18880] =	vst v63  }
0x247: {  	s24 =	sadd.s32 $0x180, s16;
	s30 =	sadd.s32 $0xC00, s19  }
0x248: {  	[tilespmem:s30], [sflag:$0xD] =	stream.linear.gather [hbm4b:s24+s5], $0x80, $0x38;
	[tilespmem:$0x18880] =	vst v63  }
0x249: {  	s24 =	sadd.s32 $0x200, s16;
	s30 =	sor.u32 $0x1000, s19  }
0x24a: {  	[tilespmem:s30], [sflag:$0xD] =	stream.linear.gather [hbm4b:s24+s5], $0x80, $0x38;
	[tilespmem:$0x18880] =	vst v63  }
0x24b: {  	s24 =	sadd.s32 $0x280, s16;
	s30 =	sadd.s32 $0x1400, s19  }
0x24c: {  	[tilespmem:s30], [sflag:$0xD] =	stream.linear.gather [hbm4b:s24+s5], $0x80, $0x38;
	[tilespmem:$0x18880] =	vst v63  }
0x24d: {  	s24 =	sadd.s32 $0x300, s16;
	s30 =	sadd.s32 $0x1800, s19  }
0x24e: {  	[tilespmem:s30], [sflag:$0xD] =	stream.linear.gather [hbm4b:s24+s5], $0x80, $0x38;
	[tilespmem:$0x18880] =	vst v63  }
0x24f: {  	s24 =	sadd.s32 $0x380, s16;
	s30 =	sadd.s32 $0x1C00, s19  }
0x250: {  	[tilespmem:s30], [sflag:$0xD] =	stream.linear.gather [hbm4b:s24+s5], $0x80, $0x38;
	[tilespmem:$0x18880] =	vst v63  }
0x251: {  	s24 =	sadd.s32 $0x400, s16;
	s30 =	sor.u32 $0x2000, s19  }
0x252: {  	[tilespmem:s30], [sflag:$0xD] =	stream.linear.gather [hbm4b:s24+s5], $0x80, $0x38;
	[tilespmem:$0x18880] =	vst v63  }
0x253: {  	s24 =	sadd.s32 $0x480, s16;
	s30 =	sadd.s32 $0x2400, s19  }
0x254: {  	[tilespmem:s30], [sflag:$0xD] =	stream.linear.gather [hbm4b:s24+s5], $0x80, $0x38;
	[tilespmem:$0x18880] =	vst v63  }
0x255: {  	s24 =	sadd.s32 $0x500, s16;
	s30 =	sadd.s32 $0x2800, s19  }
0x256: {  	[tilespmem:s30], [sflag:$0xD] =	stream.linear.gather [hbm4b:s24+s5], $0x80, $0x38;
	[tilespmem:$0x18880] =	vst v63  }
0x257: {  	s24 =	sadd.s32 $0x580, s16;
	s30 =	sadd.s32 $0x2C00, s19  }
0x258: {  	[tilespmem:s30], [sflag:$0xD] =	stream.linear.gather [hbm4b:s24+s5], $0x80, $0x38;
	[tilespmem:$0x18880] =	vst v63  }
0x259: {  	s24 =	sadd.s32 $0x600, s16;
	s30 =	sor.u32 $0x3000, s19  }
0x25a: {  	[tilespmem:s30], [sflag:$0xD] =	stream.linear.gather [hbm4b:s24+s5], $0x80, $0x38;
	[tilespmem:$0x18880] =	vst v63  }
0x25b: {  	s24 =	sadd.s32 $0x680, s16;
	s30 =	sadd.s32 $0x3400, s19  }
0x25c: {  	[tilespmem:s30], [sflag:$0xD] =	stream.linear.gather [hbm4b:s24+s5], $0x80, $0x38;
	[tilespmem:$0x18880] =	vst v63  }
0x25d: {  	s21 =	sxor.u32 $0xFFC00000, s21;
	s24 =	sadd.s32 $0x700, s16;
	s30 =	sadd.s32 $0x3800, s19  }
0x25e: {  	[tilespmem:s30], [sflag:$0xD] =	stream.linear.gather [hbm4b:s24+s5], $0x80, $0x38;
	[tilespmem:$0x18880] =	vst v63  }
0x25f: {  	v8 =	vmov s21;
	s16 =	sadd.s32 $0x780, s16;
	s19 =	sadd.s32 $0x3C00, s19  }
0x260: {  	vm2 =	veq.s32 v8, v0;
	[tilespmem:s19], [sflag:$0xD] =	stream.linear.gather [hbm4b:s16+s5], $0x80, $0x38;
	[tilespmem:$0x18880] =	vst v63  }
0x261: {  	v6 =	vsel vm2, $0x0, v6;
	_ =	swait.ge [sflag:s18], $0x800  }
0x262: {  	(xrf0) =	vadd.scan.msk.s32 $0xffff, v6;
	_ =	sdelay $0x5  }
0x263: {  	v8, _, _ =	vpop (xrf0)  }
0x264: {  	(v2sf) =	vpush v8, $0xF;
	_ =	sdelay $0xe  }
0x265: {  	s30 =	spop (v2sf)  }
0x266: {  	p0 =	sgt.s32 s30, $0x0  }
.Ltmp12:
0x267: {  	_ = 	snop;
	(pc) =	sbr.rel @p0 .LBB2_18-.Ltmp12, $3  }
0x268: {  	_ =	sdelay $0x1  }
0x269: {  	[sflag:s18] =	ssyncset.done $0x0  }
0x26a: {  	[sflag:s18] =	ssyncadd.s32 $0xFFFFF800  }
.LBB2_19:
0x26b: {  	s16 =	sadd.s32 s6, s26  }
0x26c: {  	s16 =	sshll.u32 s16, $0x8  }
0x26d: {  	s30 =	simm.s32 $0x10880;
	p0 =	seq.s32 s7, $0x14;
	s16 =	sadd.s32 s4, s16  }
0x26e: {  	[hbm4b:s16+s5] =	stream.linear.scatter [tilespmem:s30], [sflag:$0xB], $0x4000, $0x38;
	[tilespmem:$0x18880] =	vst v63  }
0x26f: {  	s16 =	simm.s32 @!p0 $0x9  }
0x270: {  	_ =	swait.ge @!p0 [sflag:s16], $0x4000  }
0x271: {  	[sflag:s16] =	ssyncset.done @!p0 $0x0  }
0x272: {  	[sflag:s16] =	ssyncadd.s32 @!p0 $0xFFFFC000  }
0x273: {  	v6 =	vld.msk @!p0 [tilespmem:s17+$0x4C0], $0xff;
	_ =	sdelay $0x4  }
0x274: {  	v7 =	vshll.u32 @!p0 v6, $0x4  }
0x275: {  	v8 =	vlaneseq.u32 @!p0;
	v6 =	vand.u32 @!p0 $0x7, v6;
	v7 =	vand.u32 @!p0 $0xFFFFFF80, v7  }
0x276: {  	v6 =	vor.u32 @!p0 v6, v7;
	v7 =	vand.u32 @!p0 $0x7, v8;
	v8 =	vshrl.u32 @!p0 v8, $0x3  }
0x277: {  	v6 =	vperm.xlane @!p0 v6, v7;
	v7 =	vmul.u32 @!p0 $0x8, v8;
	_ =	sdelay $0x1  }
0x278: {  	v6 =	vadd.s32 @!p0 v7, v6;
	_ =	sdelay $0x3  }
0x279: {  	vm2 =	vmmov @!p0 $0xffff;
	s19 =	simm.s32 @!p0 $0x8880;
	s16 =	simm.s32 @!p0 $0x0  }
0x27a: {  	[tilespmem:s19], [sflag:$0x3] =	stream.indirect_vreg.gather @!p0 [hbm4b:s2+s16], $0x80, v6, vm2, $0xb8;
	[tilespmem:$0x18880] =	vst v63  }
0x27b: {  	s19 =	simm.s32 @!p0 $0x9080  }
0x27c: {  	[tilespmem:s19], [sflag:$0x3] =	stream.indirect_vreg.gather @!p0 [hbm4b:s8+s16], $0x80, v6, vm2, $0xb8;
	[tilespmem:$0x18880] =	vst v63  }
0x27d: {  	s19 =	simm.s32 @!p0 $0x9880  }
0x27e: {  	[tilespmem:s19], [sflag:$0x3] =	stream.indirect_vreg.gather @!p0 [hbm4b:s9+s16], $0x80, v6, vm2, $0xb8;
	[tilespmem:$0x18880] =	vst v63  }
0x27f: {  	s19 =	simm.s32 @!p0 $0xA080  }
0x280: {  	[tilespmem:s19], [sflag:$0x3] =	stream.indirect_vreg.gather @!p0 [hbm4b:s10+s16], $0x80, v6, vm2, $0xb8;
	[tilespmem:$0x18880] =	vst v63  }
0x281: {  	s19 =	simm.s32 @!p0 $0xA880  }
0x282: {  	[tilespmem:s19], [sflag:$0x3] =	stream.indirect_vreg.gather @!p0 [hbm4b:s11+s16], $0x80, v6, vm2, $0xb8;
	[tilespmem:$0x18880] =	vst v63  }
0x283: {  	s19 =	simm.s32 @!p0 $0xB080  }
0x284: {  	[tilespmem:s19], [sflag:$0x3] =	stream.indirect_vreg.gather @!p0 [hbm4b:s12+s16], $0x80, v6, vm2, $0xb8;
	[tilespmem:$0x18880] =	vst v63  }
0x285: {  	s19 =	simm.s32 @!p0 $0xB880  }
0x286: {  	[tilespmem:s19], [sflag:$0x3] =	stream.indirect_vreg.gather @!p0 [hbm4b:s13+s16], $0x80, v6, vm2, $0xb8;
	[tilespmem:$0x18880] =	vst v63  }
0x287: {  	s19 =	simm.s32 @!p0 $0xC080  }
0x288: {  	[tilespmem:s19], [sflag:$0x3] =	stream.indirect_vreg.gather @!p0 [hbm4b:s14+s16], $0x80, v6, vm2, $0xb8;
	[tilespmem:$0x18880] =	vst v63  }
0x289: {  	_ =	swait.ge [sflag:s1], $0x4000  }
0x28a: {  	[sflag:s1] =	ssyncset.done $0x0  }
0x28b: {  	[sflag:s1] =	ssyncadd.s32 $0xFFFFC000  }
0x28c: {  	v7 =	vld [tilespmem:s15+$0x0];
	_ =	sdelay $0x4  }
0x28d: {  	vm2 =	vgt.s32 v7, $0xBFFF  }
0x28e: {  	vm2 =	vmand vm2, vm1  }
0x28f: {  	v6 =	vsel vm2, $0x1, v3  }
0x290: {  	(xrf0) =	vadd.scan.msk.s32 $0xffff, v6;
	_ =	sdelay $0x5  }
0x291: {  	v8, _, _ =	vpop (xrf0)  }
0x292: {  	(v2sf) =	vpush v8, $0xF;
	_ =	sdelay $0xe  }
0x293: {  	s26 =	spop (v2sf)  }
0x294: {  	p1 =	slt.s32 s26, $0x1  }
.Ltmp13:
0x295: {  	_ = 	snop;
	(pc) =	sbr.rel @p1 .LBB2_22-.Ltmp13, $1  }
0x296: {  	_ =	sdelay $0x3  }
0x297: {  	v7 =	vadd.s32 $0xFFFF4000, v7  }
0x298: {  	v7 =	vand.u32 v4, v7  }
0x299: {  	v7 =	vxor.u32 v5, v7  }
.LBB2_21:
0x29a: {  	vm2 =	veq.s32 v6, $0x0  }
0x29b: {  	v8 =	vsel vm2, $0xC0000000, v7  }
0x29c: {  	(xrf0) =	vmin.scan.msk.u32 $0xffff, v8;
	_ =	sdelay $0x5  }
0x29d: {  	v8, _, _ =	vpop (xrf0)  }
0x29e: {  	(v2sf) =	vpush v8, $0xF;
	_ =	sdelay $0xe  }
0x29f: {  	s16 =	spop (v2sf)  }
0x2a0: {  	s19 =	sshll.u32 s16, $0xB  }
0x2a1: {  	s21 =	sshra.s32 s16, $0x9;
	s16 =	sshll.u32 s16, $0x7;
	s19 =	sand.u32 $0xFC000, s19  }
0x2a2: {  	s16 =	sand.u32 $0x380, s16;
	s22 =	sshll.u32 s21, $0x7;
	s24 =	sshll.u32 s21, $0xB  }
0x2a3: {  	s16 =	sor.u32 s16, s19;
	s22 =	sand.u32 $0x380, s22;
	s26 =	sand.u32 $0xFFFFC000, s24  }
0x2a4: {  	s16 =	sshrl.u32 s16, $0x3;
	s19 =	sor.u32 s22, s26  }
0x2a5: {  	s16 =	sadd.s32 s3, s16;
	s19 =	sadd.s32 $0x14880, s19  }
0x2a6: {  	[tilespmem:s19], [sflag:$0xD] =	stream.linear.gather [hbm4b:s16+s5], $0x80, $0x38;
	[tilespmem:$0x18880] =	vst v63  }
0x2a7: {  	s24 =	sadd.s32 $0x80, s16;
	s26 =	sadd.s32 $0x400, s19  }
0x2a8: {  	[tilespmem:s26], [sflag:$0xD] =	stream.linear.gather [hbm4b:s24+s5], $0x80, $0x38;
	[tilespmem:$0x18880] =	vst v63  }
0x2a9: {  	s24 =	sadd.s32 $0x100, s16;
	s26 =	sadd.s32 $0x800, s19  }
0x2aa: {  	[tilespmem:s26], [sflag:$0xD] =	stream.linear.gather [hbm4b:s24+s5], $0x80, $0x38;
	[tilespmem:$0x18880] =	vst v63  }
0x2ab: {  	s24 =	sadd.s32 $0x180, s16;
	s26 =	sadd.s32 $0xC00, s19  }
0x2ac: {  	[tilespmem:s26], [sflag:$0xD] =	stream.linear.gather [hbm4b:s24+s5], $0x80, $0x38;
	[tilespmem:$0x18880] =	vst v63  }
0x2ad: {  	s24 =	sadd.s32 $0x200, s16;
	s26 =	sor.u32 $0x1000, s19  }
0x2ae: {  	[tilespmem:s26], [sflag:$0xD] =	stream.linear.gather [hbm4b:s24+s5], $0x80, $0x38;
	[tilespmem:$0x18880] =	vst v63  }
0x2af: {  	s24 =	sadd.s32 $0x280, s16;
	s26 =	sadd.s32 $0x1400, s19  }
0x2b0: {  	[tilespmem:s26], [sflag:$0xD] =	stream.linear.gather [hbm4b:s24+s5], $0x80, $0x38;
	[tilespmem:$0x18880] =	vst v63  }
0x2b1: {  	s24 =	sadd.s32 $0x300, s16;
	s26 =	sadd.s32 $0x1800, s19  }
0x2b2: {  	[tilespmem:s26], [sflag:$0xD] =	stream.linear.gather [hbm4b:s24+s5], $0x80, $0x38;
	[tilespmem:$0x18880] =	vst v63  }
0x2b3: {  	s24 =	sadd.s32 $0x380, s16;
	s26 =	sadd.s32 $0x1C00, s19  }
0x2b4: {  	[tilespmem:s26], [sflag:$0xD] =	stream.linear.gather [hbm4b:s24+s5], $0x80, $0x38;
	[tilespmem:$0x18880] =	vst v63  }
0x2b5: {  	s24 =	sadd.s32 $0x400, s16;
	s26 =	sor.u32 $0x2000, s19  }
0x2b6: {  	[tilespmem:s26], [sflag:$0xD] =	stream.linear.gather [hbm4b:s24+s5], $0x80, $0x38;
	[tilespmem:$0x18880] =	vst v63  }
0x2b7: {  	s24 =	sadd.s32 $0x480, s16;
	s26 =	sadd.s32 $0x2400, s19  }
0x2b8: {  	[tilespmem:s26], [sflag:$0xD] =	stream.linear.gather [hbm4b:s24+s5], $0x80, $0x38;
	[tilespmem:$0x18880] =	vst v63  }
0x2b9: {  	s24 =	sadd.s32 $0x500, s16;
	s26 =	sadd.s32 $0x2800, s19  }
0x2ba: {  	[tilespmem:s26], [sflag:$0xD] =	stream.linear.gather [hbm4b:s24+s5], $0x80, $0x38;
	[tilespmem:$0x18880] =	vst v63  }
0x2bb: {  	s24 =	sadd.s32 $0x580, s16;
	s26 =	sadd.s32 $0x2C00, s19  }
0x2bc: {  	[tilespmem:s26], [sflag:$0xD] =	stream.linear.gather [hbm4b:s24+s5], $0x80, $0x38;
	[tilespmem:$0x18880] =	vst v63  }
0x2bd: {  	s24 =	sadd.s32 $0x600, s16;
	s26 =	sor.u32 $0x3000, s19  }
0x2be: {  	[tilespmem:s26], [sflag:$0xD] =	stream.linear.gather [hbm4b:s24+s5], $0x80, $0x38;
	[tilespmem:$0x18880] =	vst v63  }
0x2bf: {  	s24 =	sadd.s32 $0x680, s16;
	s26 =	sadd.s32 $0x3400, s19  }
0x2c0: {  	[tilespmem:s26], [sflag:$0xD] =	stream.linear.gather [hbm4b:s24+s5], $0x80, $0x38;
	[tilespmem:$0x18880] =	vst v63  }
0x2c1: {  	s21 =	sxor.u32 $0xFFC00000, s21;
	s24 =	sadd.s32 $0x700, s16;
	s26 =	sadd.s32 $0x3800, s19  }
0x2c2: {  	[tilespmem:s26], [sflag:$0xD] =	stream.linear.gather [hbm4b:s24+s5], $0x80, $0x38;
	[tilespmem:$0x18880] =	vst v63  }
0x2c3: {  	v8 =	vmov s21;
	s16 =	sadd.s32 $0x780, s16;
	s19 =	sadd.s32 $0x3C00, s19  }
0x2c4: {  	vm2 =	veq.s32 v8, v0;
	[tilespmem:s19], [sflag:$0xD] =	stream.linear.gather [hbm4b:s16+s5], $0x80, $0x38;
	[tilespmem:$0x18880] =	vst v63  }
0x2c5: {  	v6 =	vsel vm2, $0x0, v6;
	_ =	swait.ge [sflag:s18], $0x800  }
0x2c6: {  	(xrf0) =	vadd.scan.msk.s32 $0xffff, v6;
	_ =	sdelay $0x5  }
0x2c7: {  	v8, _, _ =	vpop (xrf0)  }
0x2c8: {  	(v2sf) =	vpush v8, $0xF;
	_ =	sdelay $0xe  }
0x2c9: {  	s26 =	spop (v2sf)  }
0x2ca: {  	p1 =	sgt.s32 s26, $0x0  }
.Ltmp14:
0x2cb: {  	_ = 	snop;
	(pc) =	sbr.rel @p1 .LBB2_21-.Ltmp14, $3  }
0x2cc: {  	_ =	sdelay $0x1  }
0x2cd: {  	[sflag:s18] =	ssyncset.done $0x0  }
0x2ce: {  	[sflag:s18] =	ssyncadd.s32 $0xFFFFF800  }
.LBB2_22:
.Ltmp15:
0x2cf: {  	(pc) =	sbr.rel @p0 .LBB2_24-.Ltmp15, $4  }
0x2d0: {  	s15 =	sadd.s32 s6, s15  }
0x2d1: {  	s15 =	sshll.u32 s15, $0x8  }
0x2d2: {  	s16 =	simm.s32 $0x14880;
	s24 =	simm.s32 $0x880;
	s15 =	sadd.s32 s4, s15  }
0x2d3: {  	[hbm4b:s15+s5] =	stream.linear.scatter [tilespmem:s16], [sflag:$0xC], $0x4000, $0x38;
	[tilespmem:$0x18880] =	vst v63  }
0x2d4: {  	_ =	swait.ge [sflag:s29], $0x4000  }
0x2d5: {  	[sflag:s29] =	ssyncset.done $0x0  }
0x2d6: {  	[sflag:s29] =	ssyncadd.s32 $0xFFFFC000  }
0x2d7: {  	v6 =	vld.msk [tilespmem:s17+$0x4C8], $0xff;
	_ =	sdelay $0x4  }
0x2d8: {  	v7 =	vshll.u32 v6, $0x4  }
0x2d9: {  	v6 =	vand.u32 $0x7, v6;
	v7 =	vand.u32 $0xFFFFFF80, v7  }
0x2da: {  	v6 =	vor.u32 v6, v7  }
0x2db: {  	v6 =	vperm.xlane v6, v1;
	_ =	sdelay $0x1  }
0x2dc: {  	v6 =	vadd.s32 v2, v6;
	_ =	sdelay $0x4  }
0x2dd: {  	[tilespmem:s28], [sflag:$0x4] =	stream.indirect_vreg.gather [hbm4b:s2+s5], $0x80, v6, vm0, $0xb8;
	[tilespmem:$0x18880] =	vst v63  }
0x2de: {  	s15 =	simm.s32 $0xD080  }
0x2df: {  	[tilespmem:s15], [sflag:$0x4] =	stream.indirect_vreg.gather [hbm4b:s8+s5], $0x80, v6, vm0, $0xb8;
	[tilespmem:$0x18880] =	vst v63  }
0x2e0: {  	s17 =	simm.s32 $0xD880  }
0x2e1: {  	[tilespmem:s17], [sflag:$0x4] =	stream.indirect_vreg.gather [hbm4b:s9+s5], $0x80, v6, vm0, $0xb8;
	[tilespmem:$0x18880] =	vst v63  }
0x2e2: {  	s19 =	simm.s32 $0xE080  }
0x2e3: {  	[tilespmem:s19], [sflag:$0x4] =	stream.indirect_vreg.gather [hbm4b:s10+s5], $0x80, v6, vm0, $0xb8;
	[tilespmem:$0x18880] =	vst v63  }
0x2e4: {  	s21 =	simm.s32 $0xE880  }
0x2e5: {  	[tilespmem:s21], [sflag:$0x4] =	stream.indirect_vreg.gather [hbm4b:s11+s5], $0x80, v6, vm0, $0xb8;
	[tilespmem:$0x18880] =	vst v63  }
0x2e6: {  	s22 =	simm.s32 $0xF080  }
0x2e7: {  	[tilespmem:s22], [sflag:$0x4] =	stream.indirect_vreg.gather [hbm4b:s12+s5], $0x80, v6, vm0, $0xb8;
	[tilespmem:$0x18880] =	vst v63  }
.Ltmp16:
0x2e8: {  	_ = 	snop;
	(pc) =	sbr.rel .LBB2_4-.Ltmp16, $4  }
0x2e9: {  	s26 =	simm.s32 $0xF880  }
0x2ea: {  	[tilespmem:s26], [sflag:$0x4] =	stream.indirect_vreg.gather [hbm4b:s13+s5], $0x80, v6, vm0, $0xb8;
	[tilespmem:$0x18880] =	vst v63  }
0x2eb: {  	s7 =	sadd.s32 $0x1, s7;
	s28 =	simm.s32 $0x10080  }
0x2ec: {  	[tilespmem:s28], [sflag:$0x4] =	stream.indirect_vreg.gather [hbm4b:s14+s5], $0x80, v6, vm0, $0xb8;
	[tilespmem:$0x18880] =	vst v63  }
.LBB2_24:
0x2ed: {  	_ =	swait.ge [sflag:s20], $0x4000  }
0x2ee: {  	[sflag:s20] =	ssyncset.done $0x0  }
0x2ef: {  	[sflag:s20] =	ssyncadd.s32 $0xFFFFC000  }
0x2f0: {  	v7 =	vld [tilespmem:$0x3F0];
	_ =	sdelay $0x4  }
0x2f1: {  	vm2 =	vgt.s32 v7, $0xBFFF  }
0x2f2: {  	vm2 =	vmand vm2, vm1  }
0x2f3: {  	v6 =	vsel vm2, $0x1, v3  }
0x2f4: {  	(xrf0) =	vadd.scan.msk.s32 $0xffff, v6;
	_ =	sdelay $0x5  }
0x2f5: {  	v8, _, _ =	vpop (xrf0)  }
0x2f6: {  	(v2sf) =	vpush v8, $0xF;
	_ =	sdelay $0xe  }
0x2f7: {  	s7 =	spop (v2sf)  }
0x2f8: {  	p0 =	slt.s32 s7, $0x1  }
.Ltmp17:
0x2f9: {  	_ = 	snop;
	(pc) =	sbr.rel @p0 .LBB2_27-.Ltmp17, $1  }
0x2fa: {  	_ =	sdelay $0x3  }
0x2fb: {  	v7 =	vadd.s32 $0xFFFF4000, v7  }
0x2fc: {  	v7 =	vand.u32 v4, v7  }
0x2fd: {  	v7 =	vxor.u32 v5, v7  }
.LBB2_26:
0x2fe: {  	vm2 =	veq.s32 v6, $0x0  }
0x2ff: {  	v8 =	vsel vm2, $0xC0000000, v7  }
0x300: {  	(xrf0) =	vmin.scan.msk.u32 $0xffff, v8;
	_ =	sdelay $0x5  }
0x301: {  	v8, _, _ =	vpop (xrf0)  }
0x302: {  	(v2sf) =	vpush v8, $0xF;
	_ =	sdelay $0xe  }
0x303: {  	s7 =	spop (v2sf)  }
0x304: {  	s15 =	sshll.u32 s7, $0xB  }
0x305: {  	s16 =	sshra.s32 s7, $0x9;
	s7 =	sshll.u32 s7, $0x7;
	s15 =	sand.u32 $0xFC000, s15  }
0x306: {  	s7 =	sand.u32 $0x380, s7;
	s17 =	sshll.u32 s16, $0x7;
	s19 =	sshll.u32 s16, $0xB  }
0x307: {  	s7 =	sor.u32 s7, s15;
	s17 =	sand.u32 $0x380, s17;
	s21 =	sand.u32 $0xFFFFC000, s19  }
0x308: {  	s7 =	sshrl.u32 s7, $0x3;
	s15 =	sor.u32 s17, s21  }
0x309: {  	s7 =	sadd.s32 s3, s7;
	s17 =	sadd.s32 $0x880, s15  }
0x30a: {  	[tilespmem:s17], [sflag:$0xD] =	stream.linear.gather [hbm4b:s7+s5], $0x80, $0x38;
	[tilespmem:$0x18880] =	vst v63  }
0x30b: {  	s26 =	sadd.s32 $0xC80, s15;
	s22 =	sadd.s32 $0x80, s7  }
0x30c: {  	[tilespmem:s26], [sflag:$0xD] =	stream.linear.gather [hbm4b:s22+s5], $0x80, $0x38;
	[tilespmem:$0x18880] =	vst v63  }
0x30d: {  	s21 =	sadd.s32 $0x1080, s15;
	s19 =	sadd.s32 $0x100, s7  }
0x30e: {  	[tilespmem:s21], [sflag:$0xD] =	stream.linear.gather [hbm4b:s19+s5], $0x80, $0x38;
	[tilespmem:$0x18880] =	vst v63  }
0x30f: {  	s22 =	sadd.s32 $0x180, s7;
	s26 =	sadd.s32 $0x1480, s15  }
0x310: {  	[tilespmem:s26], [sflag:$0xD] =	stream.linear.gather [hbm4b:s22+s5], $0x80, $0x38;
	[tilespmem:$0x18880] =	vst v63  }
0x311: {  	s19 =	sadd.s32 $0x200, s7;
	s21 =	sadd.s32 $0x1880, s15  }
0x312: {  	[tilespmem:s21], [sflag:$0xD] =	stream.linear.gather [hbm4b:s19+s5], $0x80, $0x38;
	[tilespmem:$0x18880] =	vst v63  }
0x313: {  	s22 =	sadd.s32 $0x280, s7;
	s26 =	sadd.s32 $0x1C80, s15  }
0x314: {  	[tilespmem:s26], [sflag:$0xD] =	stream.linear.gather [hbm4b:s22+s5], $0x80, $0x38;
	[tilespmem:$0x18880] =	vst v63  }
0x315: {  	s19 =	sadd.s32 $0x300, s7;
	s21 =	sadd.s32 $0x2080, s15  }
0x316: {  	[tilespmem:s21], [sflag:$0xD] =	stream.linear.gather [hbm4b:s19+s5], $0x80, $0x38;
	[tilespmem:$0x18880] =	vst v63  }
0x317: {  	s22 =	sadd.s32 $0x380, s7;
	s26 =	sadd.s32 $0x2480, s15  }
0x318: {  	[tilespmem:s26], [sflag:$0xD] =	stream.linear.gather [hbm4b:s22+s5], $0x80, $0x38;
	[tilespmem:$0x18880] =	vst v63  }
0x319: {  	s19 =	sadd.s32 $0x400, s7;
	s21 =	sadd.s32 $0x2880, s15  }
0x31a: {  	[tilespmem:s21], [sflag:$0xD] =	stream.linear.gather [hbm4b:s19+s5], $0x80, $0x38;
	[tilespmem:$0x18880] =	vst v63  }
0x31b: {  	s22 =	sadd.s32 $0x480, s7;
	s26 =	sadd.s32 $0x2C80, s15  }
0x31c: {  	[tilespmem:s26], [sflag:$0xD] =	stream.linear.gather [hbm4b:s22+s5], $0x80, $0x38;
	[tilespmem:$0x18880] =	vst v63  }
0x31d: {  	s19 =	sadd.s32 $0x500, s7;
	s21 =	sadd.s32 $0x3080, s15  }
0x31e: {  	[tilespmem:s21], [sflag:$0xD] =	stream.linear.gather [hbm4b:s19+s5], $0x80, $0x38;
	[tilespmem:$0x18880] =	vst v63  }
0x31f: {  	s22 =	sadd.s32 $0x580, s7;
	s26 =	sadd.s32 $0x3480, s15  }
0x320: {  	[tilespmem:s26], [sflag:$0xD] =	stream.linear.gather [hbm4b:s22+s5], $0x80, $0x38;
	[tilespmem:$0x18880] =	vst v63  }
0x321: {  	s19 =	sadd.s32 $0x600, s7;
	s21 =	sadd.s32 $0x3880, s15  }
0x322: {  	[tilespmem:s21], [sflag:$0xD] =	stream.linear.gather [hbm4b:s19+s5], $0x80, $0x38;
	[tilespmem:$0x18880] =	vst v63  }
0x323: {  	s22 =	sadd.s32 $0x680, s7;
	s26 =	sadd.s32 $0x3C80, s15  }
0x324: {  	[tilespmem:s26], [sflag:$0xD] =	stream.linear.gather [hbm4b:s22+s5], $0x80, $0x38;
	[tilespmem:$0x18880] =	vst v63  }
0x325: {  	s16 =	sxor.u32 $0xFFC00000, s16;
	s21 =	sadd.s32 $0x700, s7;
	s22 =	sadd.s32 $0x4080, s15  }
0x326: {  	[tilespmem:s22], [sflag:$0xD] =	stream.linear.gather [hbm4b:s21+s5], $0x80, $0x38;
	[tilespmem:$0x18880] =	vst v63  }
0x327: {  	v8 =	vmov s16;
	s7 =	sadd.s32 $0x780, s7;
	s15 =	sadd.s32 $0x4480, s15  }
0x328: {  	vm2 =	veq.s32 v8, v0;
	[tilespmem:s15], [sflag:$0xD] =	stream.linear.gather [hbm4b:s7+s5], $0x80, $0x38;
	[tilespmem:$0x18880] =	vst v63  }
0x329: {  	v6 =	vsel vm2, $0x0, v6;
	_ =	swait.ge [sflag:s18], $0x800  }
0x32a: {  	(xrf0) =	vadd.scan.msk.s32 $0xffff, v6;
	_ =	sdelay $0x5  }
0x32b: {  	v8, _, _ =	vpop (xrf0)  }
0x32c: {  	(v2sf) =	vpush v8, $0xF;
	_ =	sdelay $0xe  }
0x32d: {  	s26 =	spop (v2sf)  }
0x32e: {  	p0 =	sgt.s32 s26, $0x0  }
.Ltmp18:
0x32f: {  	_ = 	snop;
	(pc) =	sbr.rel @p0 .LBB2_26-.Ltmp18, $3  }
0x330: {  	_ =	sdelay $0x1  }
0x331: {  	[sflag:s18] =	ssyncset.done $0x0  }
0x332: {  	[sflag:s18] =	ssyncadd.s32 $0xFFFFF800  }
.LBB2_27:
0x333: {  	s7 =	rddreg [dreg:$0x6]  }
0x334: {  	[hbm4b:s7+s5] =	stream.linear.scatter [tilespmem:s24], [sflag:$0x7], $0x4000, $0x38;
	[tilespmem:$0x18880] =	vst v63  }
0x335: {  	_ =	swait.ge [sflag:s23], $0x4000  }
0x336: {  	[sflag:s23] =	ssyncset.done $0x0  }
0x337: {  	[sflag:s23] =	ssyncadd.s32 $0xFFFFC000  }
0x338: {  	v7 =	vld [tilespmem:$0x3F8];
	_ =	sdelay $0x4  }
0x339: {  	vm2 =	vgt.s32 v7, $0xBFFF  }
0x33a: {  	vm2 =	vmand vm2, vm1  }
0x33b: {  	v6 =	vsel vm2, $0x1, v3  }
0x33c: {  	(xrf0) =	vadd.scan.msk.s32 $0xffff, v6;
	_ =	sdelay $0x5  }
0x33d: {  	v8, _, _ =	vpop (xrf0)  }
0x33e: {  	(v2sf) =	vpush v8, $0xF;
	_ =	sdelay $0xe  }
0x33f: {  	s26 =	spop (v2sf)  }
0x340: {  	p0 =	slt.s32 s26, $0x1  }
.Ltmp19:
0x341: {  	_ = 	snop;
	(pc) =	sbr.rel @p0 .LBB2_30-.Ltmp19, $1  }
0x342: {  	_ =	sdelay $0x3  }
0x343: {  	v7 =	vadd.s32 $0xFFFF4000, v7  }
0x344: {  	v7 =	vand.u32 v4, v7  }
0x345: {  	v7 =	vxor.u32 v5, v7  }
.LBB2_29:
0x346: {  	vm2 =	veq.s32 v6, $0x0  }
0x347: {  	v8 =	vsel vm2, $0xC0000000, v7  }
0x348: {  	(xrf0) =	vmin.scan.msk.u32 $0xffff, v8;
	_ =	sdelay $0x5  }
0x349: {  	v8, _, _ =	vpop (xrf0)  }
0x34a: {  	(v2sf) =	vpush v8, $0xF;
	_ =	sdelay $0xe  }
0x34b: {  	s7 =	spop (v2sf)  }
0x34c: {  	s15 =	sshll.u32 s7, $0xB  }
0x34d: {  	s16 =	sshra.s32 s7, $0x9;
	s7 =	sshll.u32 s7, $0x7;
	s15 =	sand.u32 $0xFC000, s15  }
0x34e: {  	s7 =	sand.u32 $0x380, s7;
	s17 =	sshll.u32 s16, $0x7;
	s19 =	sshll.u32 s16, $0xB  }
0x34f: {  	s7 =	sor.u32 s7, s15;
	s17 =	sand.u32 $0x380, s17;
	s21 =	sand.u32 $0xFFFFC000, s19  }
0x350: {  	s7 =	sshrl.u32 s7, $0x3;
	s15 =	sor.u32 s17, s21  }
0x351: {  	s7 =	sadd.s32 s3, s7;
	s17 =	sadd.s32 $0x4880, s15  }
0x352: {  	[tilespmem:s17], [sflag:$0xD] =	stream.linear.gather [hbm4b:s7+s5], $0x80, $0x38;
	[tilespmem:$0x18880] =	vst v63  }
0x353: {  	s26 =	sadd.s32 $0x4C80, s15;
	s22 =	sadd.s32 $0x80, s7  }
0x354: {  	[tilespmem:s26], [sflag:$0xD] =	stream.linear.gather [hbm4b:s22+s5], $0x80, $0x38;
	[tilespmem:$0x18880] =	vst v63  }
0x355: {  	s21 =	sadd.s32 $0x5080, s15;
	s19 =	sadd.s32 $0x100, s7  }
0x356: {  	[tilespmem:s21], [sflag:$0xD] =	stream.linear.gather [hbm4b:s19+s5], $0x80, $0x38;
	[tilespmem:$0x18880] =	vst v63  }
0x357: {  	s22 =	sadd.s32 $0x180, s7;
	s26 =	sadd.s32 $0x5480, s15  }
0x358: {  	[tilespmem:s26], [sflag:$0xD] =	stream.linear.gather [hbm4b:s22+s5], $0x80, $0x38;
	[tilespmem:$0x18880] =	vst v63  }
0x359: {  	s19 =	sadd.s32 $0x200, s7;
	s21 =	sadd.s32 $0x5880, s15  }
0x35a: {  	[tilespmem:s21], [sflag:$0xD] =	stream.linear.gather [hbm4b:s19+s5], $0x80, $0x38;
	[tilespmem:$0x18880] =	vst v63  }
0x35b: {  	s22 =	sadd.s32 $0x280, s7;
	s26 =	sadd.s32 $0x5C80, s15  }
0x35c: {  	[tilespmem:s26], [sflag:$0xD] =	stream.linear.gather [hbm4b:s22+s5], $0x80, $0x38;
	[tilespmem:$0x18880] =	vst v63  }
0x35d: {  	s19 =	sadd.s32 $0x300, s7;
	s21 =	sadd.s32 $0x6080, s15  }
0x35e: {  	[tilespmem:s21], [sflag:$0xD] =	stream.linear.gather [hbm4b:s19+s5], $0x80, $0x38;
	[tilespmem:$0x18880] =	vst v63  }
0x35f: {  	s22 =	sadd.s32 $0x380, s7;
	s26 =	sadd.s32 $0x6480, s15  }
0x360: {  	[tilespmem:s26], [sflag:$0xD] =	stream.linear.gather [hbm4b:s22+s5], $0x80, $0x38;
	[tilespmem:$0x18880] =	vst v63  }
0x361: {  	s19 =	sadd.s32 $0x400, s7;
	s21 =	sadd.s32 $0x6880, s15  }
0x362: {  	[tilespmem:s21], [sflag:$0xD] =	stream.linear.gather [hbm4b:s19+s5], $0x80, $0x38;
	[tilespmem:$0x18880] =	vst v63  }
0x363: {  	s22 =	sadd.s32 $0x480, s7;
	s26 =	sadd.s32 $0x6C80, s15  }
0x364: {  	[tilespmem:s26], [sflag:$0xD] =	stream.linear.gather [hbm4b:s22+s5], $0x80, $0x38;
	[tilespmem:$0x18880] =	vst v63  }
0x365: {  	s19 =	sadd.s32 $0x500, s7;
	s21 =	sadd.s32 $0x7080, s15  }
0x366: {  	[tilespmem:s21], [sflag:$0xD] =	stream.linear.gather [hbm4b:s19+s5], $0x80, $0x38;
	[tilespmem:$0x18880] =	vst v63  }
0x367: {  	s22 =	sadd.s32 $0x580, s7;
	s26 =	sadd.s32 $0x7480, s15  }
0x368: {  	[tilespmem:s26], [sflag:$0xD] =	stream.linear.gather [hbm4b:s22+s5], $0x80, $0x38;
	[tilespmem:$0x18880] =	vst v63  }
0x369: {  	s19 =	sadd.s32 $0x600, s7;
	s21 =	sadd.s32 $0x7880, s15  }
0x36a: {  	[tilespmem:s21], [sflag:$0xD] =	stream.linear.gather [hbm4b:s19+s5], $0x80, $0x38;
	[tilespmem:$0x18880] =	vst v63  }
0x36b: {  	s22 =	sadd.s32 $0x680, s7;
	s26 =	sadd.s32 $0x7C80, s15  }
0x36c: {  	[tilespmem:s26], [sflag:$0xD] =	stream.linear.gather [hbm4b:s22+s5], $0x80, $0x38;
	[tilespmem:$0x18880] =	vst v63  }
0x36d: {  	s16 =	sxor.u32 $0xFFC00000, s16;
	s21 =	sadd.s32 $0x700, s7;
	s22 =	sadd.s32 $0x8080, s15  }
0x36e: {  	[tilespmem:s22], [sflag:$0xD] =	stream.linear.gather [hbm4b:s21+s5], $0x80, $0x38;
	[tilespmem:$0x18880] =	vst v63  }
0x36f: {  	v8 =	vmov s16;
	s7 =	sadd.s32 $0x780, s7;
	s15 =	sadd.s32 $0x8480, s15  }
0x370: {  	vm2 =	veq.s32 v8, v0;
	[tilespmem:s15], [sflag:$0xD] =	stream.linear.gather [hbm4b:s7+s5], $0x80, $0x38;
	[tilespmem:$0x18880] =	vst v63  }
0x371: {  	v6 =	vsel vm2, $0x0, v6;
	_ =	swait.ge [sflag:s18], $0x800  }
0x372: {  	(xrf0) =	vadd.scan.msk.s32 $0xffff, v6;
	_ =	sdelay $0x5  }
0x373: {  	v8, _, _ =	vpop (xrf0)  }
0x374: {  	(v2sf) =	vpush v8, $0xF;
	_ =	sdelay $0xe  }
0x375: {  	s26 =	spop (v2sf)  }
0x376: {  	p0 =	sgt.s32 s26, $0x0  }
.Ltmp20:
0x377: {  	_ = 	snop;
	(pc) =	sbr.rel @p0 .LBB2_29-.Ltmp20, $3  }
0x378: {  	_ =	sdelay $0x1  }
0x379: {  	[sflag:s18] =	ssyncset.done $0x0  }
0x37a: {  	[sflag:s18] =	ssyncadd.s32 $0xFFFFF800  }
.Ltmp21:
0x37b: {  	_ = 	snop;
	(pc) =	sbr.rel .LBB2_30-.Ltmp21, $1  }
0x37c: {  	_ =	sdelay $0x3  }
.LBB2_31:
0x37d: {  	_ =	sfence.sel $0x180000  }
0x37e: {  	[bflag:$0x0] =	sbarrier.arrive $0xFFFF  }
0x37f: {  	_ =	strace $0x90000047  }
0x380: {  	s0 =	stileid.u32;
	[bflag:$0x2] =	sbarrier.arrive $0xFFFF  }
0x381: {  	p0 =	sne.s32 s0, $0x0;
	s0 =	rddreg [dreg:$0x4]  }
0x382: {  	s0 =	sadd.s32 @!p0 $0x100000, s0  }
0x383: {  	[sflag:s0] =	ssyncadd.tile.s32 @!p0 $0x1;
	_ =	shalt  }
.Lfunc_end2:
_tile_overlayer_lowered:
.L_overlay_start_2:
0x384: {  	(tag) =	ssettag $0x2  }
0x385: {  	s0 =	rddreg [dreg:$0x0];
	s2 =	stileid.u32  }
0x386: {  	s1 =	rddreg [dreg:$0x1];
	p0 =	sne.s32 s2, $0x0  }
0x387: {  	s3 =	rddreg [dreg:$0x2];
	[bflag:$0x3] =	sbarrier.arrive $0xFFFF;
	s2 =	simm.s32 @!p0 $0x1C0D  }
0x388: {  	[timem:s3], [sflag:s2] =	dma.local @!p0 [hbm:s0], s1  }
0x389: {  	s0 =	simm.s32 @!p0 $0xD  }
0x38a: {  	_ =	swait.ge @!p0 [sflag:s0], s1  }
0x38b: {  	s1 =	ssub.s32 @!p0 $0x0, s1;
	[sflag:s0] =	ssyncset.done @!p0 $0x0  }
0x38c: {  	[sflag:s0] =	ssyncadd.s32 @!p0 s1  }
0x38d: {  	[bflag:$0x3] =	sbarrier.arrive $0xFFFF  }
0x38e: {  	_ =	shalt  }

</sc_bundles>
